<compile_context>
chip_gen: v7x
topology: tpu7x:2x2x1
jax: 0.10.2.dev20260603
libtpu: 0.0.44.dev20260713+nightly
codegen_flags: <defaults>
</compile_context>

<pallas_src>
import functools

import jax
import jax.numpy as jnp
from jax import lax
from jax.experimental import pallas as pl
from jax.experimental.pallas import tpu as pltpu
from jax.experimental.pallas import tpu_sc as plsc

NUM_CHARTS = 8
LATENT_DIM = 1024
RANK = 512
B = 2048
T = 256
NT = B // T
NI = NT + NUM_CHARTS - 1
NW = 32
BPW = B // NW


def _sc_permute(table, idx, scatter):
    D = table.shape[1]
    mesh = plsc.VectorSubcoreMesh(core_axis_name="c", subcore_axis_name="s")

    @functools.partial(
        pl.kernel,
        out_type=jax.ShapeDtypeStruct((B, D), table.dtype),
        mesh=mesh,
        scratch_types=[
            pltpu.VMEM((BPW,), jnp.int32),
            pltpu.VMEM((BPW, D), table.dtype),
            pltpu.SemaphoreType.DMA,
        ],
    )
    def gk(table_hbm, idx_hbm, out_hbm, idx_v, rows_v, sem):
        wid = lax.axis_index("s") * 2 + lax.axis_index("c")
        base = wid * BPW
        pltpu.sync_copy(idx_hbm.at[pl.ds(base, BPW)], idx_v)
        if scatter:
            pltpu.sync_copy(table_hbm.at[pl.ds(base, BPW)], rows_v)
            pltpu.async_copy(rows_v, out_hbm.at[idx_v], sem).wait()
        else:
            pltpu.async_copy(table_hbm.at[idx_v], rows_v, sem).wait()
            pltpu.sync_copy(rows_v, out_hbm.at[pl.ds(base, BPW)])

    return gk(table, idx)


def _sc_regroup(table, src_idx, dst_idx):
    D = table.shape[1]
    mesh = plsc.VectorSubcoreMesh(core_axis_name="c", subcore_axis_name="s")

    @functools.partial(
        pl.kernel,
        out_type=jax.ShapeDtypeStruct((B, D), table.dtype),
        mesh=mesh,
        scratch_types=[
            pltpu.VMEM((BPW,), jnp.int32),
            pltpu.VMEM((BPW,), jnp.int32),
            pltpu.VMEM((BPW, D), table.dtype),
            pltpu.SemaphoreType.DMA,
            pltpu.SemaphoreType.DMA,
        ],
    )
    def gk(table_hbm, sidx_hbm, didx_hbm, out_hbm, sidx_v, didx_v, rows_v, sem1, sem2):
        wid = lax.axis_index("s") * 2 + lax.axis_index("c")
        base = wid * BPW
        pltpu.sync_copy(sidx_hbm.at[pl.ds(base, BPW)], sidx_v)
        pltpu.sync_copy(didx_hbm.at[pl.ds(base, BPW)], didx_v)
        pltpu.async_copy(table_hbm.at[sidx_v], rows_v, sem1).wait()
        pltpu.async_copy(rows_v, out_hbm.at[didx_v], sem2).wait()

    return gk(table, src_idx, dst_idx)


def _routing2(ids2):
    eye = jnp.arange(NUM_CHARTS, dtype=jnp.int32)[None, None, :]
    oh = (ids2[:, :, None] == eye).astype(jnp.int32)
    csum = jnp.cumsum(oh, axis=1)
    counts = csum[:, -1, :]
    off = jnp.concatenate(
        [jnp.zeros((2, 1), jnp.int32),
         jnp.cumsum(counts, axis=1).astype(jnp.int32)], axis=1)
    rank = jnp.sum((csum - 1) * oh, axis=2)
    base = jnp.sum(off[:, None, :NUM_CHARTS] * oh, axis=2)
    inv = (base + rank).astype(jnp.int32)

    ft = off[:, :-1] // T
    lt = (off[:, 1:] - 1) // T
    n_items = jnp.where(counts > 0, lt - ft + 1, 0)
    start = jnp.concatenate(
        [jnp.zeros((2, 1), jnp.int32),
         jnp.cumsum(n_items, axis=1).astype(jnp.int32)], axis=1)
    total = start[:, -1:]
    g = jnp.arange(NI, dtype=jnp.int32)[None, :]
    e = jnp.sum((start[:, :, None] <= g[:, None, :]).astype(jnp.int32),
                axis=1) - 1
    e = jnp.clip(e, 0, NUM_CHARTS - 1).astype(jnp.int32)
    tile = jnp.take_along_axis(ft, e, axis=1) + (
        g - jnp.take_along_axis(start[:, :NUM_CHARTS], e, axis=1))
    valid = g < total
    tile = jnp.where(valid, tile, NT - 1).astype(jnp.int32)
    last_e = jnp.max(jnp.where(valid, e, -1), axis=1, keepdims=True)
    e = jnp.where(valid, e, last_e).astype(jnp.int32)
    lo = jnp.clip(jnp.take_along_axis(off, e, axis=1) - tile * T, 0, T)
    hi = jnp.clip(jnp.take_along_axis(off, e + 1, axis=1) - tile * T, 0, T)
    lo = jnp.where(valid, lo, 0).astype(jnp.int32)
    hi = jnp.where(valid, hi, 0).astype(jnp.int32)
    first = jnp.concatenate(
        [jnp.ones((2, 1), jnp.int32),
         (tile[:, 1:] != tile[:, :-1]).astype(jnp.int32)], axis=1)
    meta = jnp.concatenate([tile, e, lo, hi, first], axis=1).astype(jnp.int32)
    return inv, meta


def _gmm_body(out_dtype, meta_ref, x_ref, w_ref, bias_ref, out_ref):
    g = pl.program_id(0)
    lo = meta_ref[2 * NI + g]
    hi = meta_ref[3 * NI + g]
    first = meta_ref[4 * NI + g]

    @pl.when(lo < hi)
    def _():
        rowid = lax.broadcasted_iota(jnp.int32, (T, 1), 0)
        mask = (rowid >= lo) & (rowid < hi)
        xb = x_ref[...].astype(jnp.bfloat16)
        wb = w_ref[0].astype(jnp.bfloat16)
        val = lax.dot_general(xb, wb, (((1,), (1,)), ((), ())),
                              preferred_element_type=jnp.float32)
        val = (val + bias_ref[0]).astype(out_dtype)

        @pl.when(first == 1)
        def _():
            out_ref[...] = jnp.where(mask, val, 0)

        @pl.when(first == 0)
        def _():
            out_ref[...] = jnp.where(mask, val, out_ref[...])


def _grouped_matmul(meta, x, w, bias, n_in, n_out, out_dtype):
    return pl.pallas_call(
        functools.partial(_gmm_body, out_dtype),
        grid_spec=pltpu.PrefetchScalarGridSpec(
            num_scalar_prefetch=1,
            grid=(NI,),
            in_specs=[
                pl.BlockSpec((T, n_in), lambda g, m: (m[g], 0)),
                pl.BlockSpec((1, n_out, n_in), lambda g, m: (m[NI + g], 0, 0)),
                pl.BlockSpec((1, 1, n_out), lambda g, m: (m[NI + g], 0, 0)),
            ],
            out_specs=pl.BlockSpec((T, n_out), lambda g, m: (m[g], 0)),
        ),
        out_shape=jax.ShapeDtypeStruct((B, n_out), out_dtype),
    )(meta, x, w, bias.reshape(NUM_CHARTS, 1, n_out))


@jax.jit
def kernel(z_n, source_idx, target_idx, W_enc, W_dec, c, d):
    ids2 = jnp.stack([source_idx.astype(jnp.int32),
                      target_idx.astype(jnp.int32)])
    inv, meta = _routing2(ids2)
    inv_s, inv_t = inv[0], inv[1]

    z_s = _sc_permute(z_n, inv_s, scatter=True)
    h_s = _grouped_matmul(meta[0], z_s, W_enc, c, LATENT_DIM, RANK,
                          jnp.float32)
    h_t = _sc_regroup(h_s, inv_s, inv_t)
    y_t = _grouped_matmul(meta[1], h_t, W_dec, d, RANK, LATENT_DIM,
                          jnp.float32)
    return _sc_permute(y_t, inv_t, scatter=False)

# --- scband reference (transcript-rebuilt; emitter-appended) ---
"""Pipeline reference for scband-factorized-jump-operator-89215060673158 (READ-ONLY COPY).

The authoritative reference and input builder live on the scoring server;
editing this copy changes nothing except your own understanding.
"""

import jax, jax.numpy as jnp
import numpy as np

NUM_CHARTS = 8
LATENT_DIM = 1024
RANK = 512
B = 2048

def setup_inputs(seed: int = 0) -> dict:
    key = jax.random.key(seed)
    k1, k2, k3, k4, k5 = jax.random.split(key, 5)
    z_n = jax.random.normal(k1, (B, LATENT_DIM), dtype=jnp.float32)
    source_idx = jax.random.randint(k2, (B,), 0, NUM_CHARTS)
    target_idx = jax.random.randint(k3, (B,), 0, NUM_CHARTS)
    # encoders: [E, rank, latent_dim], init near identity (eye + 0.01*noise)
    eye_enc = jnp.eye(RANK, LATENT_DIM, dtype=jnp.float32)
    W_enc = jnp.broadcast_to(eye_enc, (NUM_CHARTS, RANK, LATENT_DIM)) + 0.01 * jax.random.normal(k4, (NUM_CHARTS, RANK, LATENT_DIM), dtype=jnp.float32)
    # decoders: [E, latent_dim, rank]
    eye_dec = jnp.eye(LATENT_DIM, RANK, dtype=jnp.float32)
    W_dec = jnp.broadcast_to(eye_dec, (NUM_CHARTS, LATENT_DIM, RANK)) + 0.01 * jax.random.normal(k5, (NUM_CHARTS, LATENT_DIM, RANK), dtype=jnp.float32)
    c = jnp.zeros((NUM_CHARTS, RANK), dtype=jnp.float32)
    d = jnp.zeros((NUM_CHARTS, LATENT_DIM), dtype=jnp.float32)
    return {"z_n": z_n, "source_idx": source_idx, "target_idx": target_idx, "W_enc": W_enc, "W_dec": W_dec, "c": c, "d": d}


def _apply_per_chart(x, chart_idx, W_stack):
    # W_stack: [E, out_features, in_features]; faithful to the per-chart masked apply
    E, out_f, _ = W_stack.shape
    out = jnp.zeros((x.shape[0], out_f), dtype=x.dtype)
    for e in range(E):
        mask = (chart_idx == e)[:, None]
        out = jnp.where(mask, x @ W_stack[e].T, out)
    return out


def reference(z_n, source_idx, target_idx, W_enc, W_dec, c, d):
    # lift_to_global
    h = _apply_per_chart(z_n, source_idx, W_enc)
    z_global = h + c[source_idx]
    # project_from_global
    z = _apply_per_chart(z_global, target_idx, W_dec)
    z_out = z + d[target_idx]
    return z_out

if __name__ == "__main__":
    import jax
    _d = setup_inputs()
    print(jax.jit(kernel)(*tuple(_d.values())))

</pallas_src>

<mosaic_0001>
#map = affine_map<(d0, d1) -> (0, 0)>
#map1 = affine_map<(d0, d1) -> (0)>
module attributes {stable_mosaic.version = 14 : i64} {
  func.func @gk(%arg0: i32, %arg1: i32, %arg2: memref<2048x512xf32, #tpu.memory_space<hbm>>, %arg3: memref<2048xi32, #tpu.memory_space<hbm>>, %arg4: memref<2048xi32, #tpu.memory_space<hbm>>, %arg5: memref<2048x512xf32, #tpu.memory_space<hbm>>, %arg6: memref<64xi32, #tpu.memory_space<vmem>>, %arg7: memref<64xi32, #tpu.memory_space<vmem>>, %arg8: memref<64x512xf32, #tpu.memory_space<vmem>>, %arg9: memref<!tpu.dma_semaphore, #tpu.memory_space<semaphore_mem>>, %arg10: memref<!tpu.dma_semaphore, #tpu.memory_space<semaphore_mem>>) attributes {dimension_semantics = [#tpu.dimension_semantics<core_parallel>, #tpu.dimension_semantics<subcore_parallel>], iteration_bounds = array<i64: 2, 16>, scalar_prefetch = 0 : i64, scratch_operands = 5 : i64, tpu.core_type = #tpu.core_type<sc_vector_subcore>, window_params = [{transform_indices = #map}, {transform_indices = #map1}, {transform_indices = #map1}, {transform_indices = #map}]} {
    %mul3A = arith.constant 2 : i32
    %mul3A_0 = arith.muli %arg1, %mul3A : i32
    %add3A = arith.addi %mul3A_0, %arg0 : i32
    %mul3A_1 = arith.constant 64 : i32
    %mul3A_2 = arith.muli %add3A, %mul3A_1 : i32
    "tpu.region"() ({
      %run_scoped3A = tpu.sem_alloc : memref<!tpu.dma_semaphore, #tpu.memory_space<semaphore_mem>>
      %dma_start3A_13 = tpu.memref_slice %arg3[%mul3A_2] : memref<2048xi32, #tpu.memory_space<hbm>> -> memref<64xi32, #tpu.memory_space<hbm>>
      %dma_start3A_14 = tpu.memref_slice %arg3[%mul3A_2] : memref<2048xi32, #tpu.memory_space<hbm>> -> memref<64xi32, #tpu.memory_space<hbm>>
      tpu.enqueue_dma source(%dma_start3A_14 : memref<64xi32, #tpu.memory_space<hbm>>) target(%arg6 : memref<64xi32, #tpu.memory_space<vmem>>) target_semaphore(%run_scoped3A : memref<!tpu.dma_semaphore, #tpu.memory_space<semaphore_mem>>)
      %dma_wait3A_15 = tpu.memref_slice %arg3[%mul3A_2] : memref<2048xi32, #tpu.memory_space<hbm>> -> memref<64xi32, #tpu.memory_space<hbm>>
      %dma_wait3A_16 = tpu.memref_slice %arg3[%mul3A_2] : memref<2048xi32, #tpu.memory_space<hbm>> -> memref<64xi32, #tpu.memory_space<hbm>>
      tpu.wait_dma2 semaphore(%run_scoped3A : memref<!tpu.dma_semaphore, #tpu.memory_space<semaphore_mem>>) src(%dma_wait3A_16 : memref<64xi32, #tpu.memory_space<hbm>>) dst(%arg6 : memref<64xi32, #tpu.memory_space<vmem>>)
      tpu.yield
    }) : () -> ()
    "tpu.region"() ({
      %run_scoped3A = tpu.sem_alloc : memref<!tpu.dma_semaphore, #tpu.memory_space<semaphore_mem>>
      %dma_start3A_13 = tpu.memref_slice %arg4[%mul3A_2] : memref<2048xi32, #tpu.memory_space<hbm>> -> memref<64xi32, #tpu.memory_space<hbm>>
      %dma_start3A_14 = tpu.memref_slice %arg4[%mul3A_2] : memref<2048xi32, #tpu.memory_space<hbm>> -> memref<64xi32, #tpu.memory_space<hbm>>
      tpu.enqueue_dma source(%dma_start3A_14 : memref<64xi32, #tpu.memory_space<hbm>>) target(%arg7 : memref<64xi32, #tpu.memory_space<vmem>>) target_semaphore(%run_scoped3A : memref<!tpu.dma_semaphore, #tpu.memory_space<semaphore_mem>>)
      %dma_wait3A_15 = tpu.memref_slice %arg4[%mul3A_2] : memref<2048xi32, #tpu.memory_space<hbm>> -> memref<64xi32, #tpu.memory_space<hbm>>
      %dma_wait3A_16 = tpu.memref_slice %arg4[%mul3A_2] : memref<2048xi32, #tpu.memory_space<hbm>> -> memref<64xi32, #tpu.memory_space<hbm>>
      tpu.wait_dma2 semaphore(%run_scoped3A : memref<!tpu.dma_semaphore, #tpu.memory_space<semaphore_mem>>) src(%dma_wait3A_16 : memref<64xi32, #tpu.memory_space<hbm>>) dst(%arg7 : memref<64xi32, #tpu.memory_space<vmem>>)
      tpu.yield
    }) : () -> ()
    %dma_start3A = arith.constant 0 : i32
    %dma_start3A_3 = arith.constant 0 : i32
    %dma_start3A_4 = tpu.memref_slice %arg2[%dma_start3A, %dma_start3A_3] : memref<2048x512xf32, #tpu.memory_space<hbm>> -> memref<2048x512xf32, #tpu.memory_space<hbm>>
    tpu.enqueue_indirect_dma source(%dma_start3A_4 : memref<2048x512xf32, #tpu.memory_space<hbm>>) target(%arg8 : memref<64x512xf32, #tpu.memory_space<vmem>>) offsets(%arg6 : memref<64xi32, #tpu.memory_space<vmem>>) semaphore(%arg9 : memref<!tpu.dma_semaphore, #tpu.memory_space<semaphore_mem>>)
    %dma_wait3A = arith.constant 0 : i32
    %dma_wait3A_5 = arith.constant 0 : i32
    %dma_wait3A_6 = tpu.memref_slice %arg2[%dma_wait3A, %dma_wait3A_5] : memref<2048x512xf32, #tpu.memory_space<hbm>> -> memref<2048x512xf32, #tpu.memory_space<hbm>>
    tpu.wait_indirect_dma semaphore(%arg9 : memref<!tpu.dma_semaphore, #tpu.memory_space<semaphore_mem>>) src(%dma_wait3A_6 : memref<2048x512xf32, #tpu.memory_space<hbm>>) dst(%arg8 : memref<64x512xf32, #tpu.memory_space<vmem>>)
    %dma_start3A_7 = arith.constant 0 : i32
    %dma_start3A_8 = arith.constant 0 : i32
    %dma_start3A_9 = tpu.memref_slice %arg5[%dma_start3A_7, %dma_start3A_8] : memref<2048x512xf32, #tpu.memory_space<hbm>> -> memref<2048x512xf32, #tpu.memory_space<hbm>>
    tpu.enqueue_indirect_dma source(%arg8 : memref<64x512xf32, #tpu.memory_space<vmem>>) target(%dma_start3A_9 : memref<2048x512xf32, #tpu.memory_space<hbm>>) offsets(%arg7 : memref<64xi32, #tpu.memory_space<vmem>>) semaphore(%arg10 : memref<!tpu.dma_semaphore, #tpu.memory_space<semaphore_mem>>)
    %dma_wait3A_10 = arith.constant 0 : i32
    %dma_wait3A_11 = arith.constant 0 : i32
    %dma_wait3A_12 = tpu.memref_slice %arg5[%dma_wait3A_10, %dma_wait3A_11] : memref<2048x512xf32, #tpu.memory_space<hbm>> -> memref<2048x512xf32, #tpu.memory_space<hbm>>
    tpu.wait_indirect_dma semaphore(%arg10 : memref<!tpu.dma_semaphore, #tpu.memory_space<semaphore_mem>>) src(%arg8 : memref<64x512xf32, #tpu.memory_space<vmem>>) dst(%dma_wait3A_12 : memref<2048x512xf32, #tpu.memory_space<hbm>>)
    return
  }
}

#map = affine_map<(d0, d1) -> (0, 0)>
#map1 = affine_map<(d0, d1) -> (0)>
module attributes {stable_mosaic.version = 14 : i64} {
  func.func @gk(%arg0: i32, %arg1: i32, %arg2: memref<2048x1024xf32, #tpu.memory_space<hbm>>, %arg3: memref<2048xi32, #tpu.memory_space<hbm>>, %arg4: memref<2048x1024xf32, #tpu.memory_space<hbm>>, %arg5: memref<64xi32, #tpu.memory_space<vmem>>, %arg6: memref<64x1024xf32, #tpu.memory_space<vmem>>, %arg7: memref<!tpu.dma_semaphore, #tpu.memory_space<semaphore_mem>>) attributes {dimension_semantics = [#tpu.dimension_semantics<core_parallel>, #tpu.dimension_semantics<subcore_parallel>], iteration_bounds = array<i64: 2, 16>, scalar_prefetch = 0 : i64, scratch_operands = 3 : i64, tpu.core_type = #tpu.core_type<sc_vector_subcore>, window_params = [{transform_indices = #map}, {transform_indices = #map1}, {transform_indices = #map}]} {
    %mul3A = arith.constant 2 : i32
    %mul3A_0 = arith.muli %arg1, %mul3A : i32
    %add3A = arith.addi %mul3A_0, %arg0 : i32
    %mul3A_1 = arith.constant 64 : i32
    %mul3A_2 = arith.muli %add3A, %mul3A_1 : i32
    "tpu.region"() ({
      %run_scoped3A = tpu.sem_alloc : memref<!tpu.dma_semaphore, #tpu.memory_space<semaphore_mem>>
      %dma_start3A_7 = tpu.memref_slice %arg3[%mul3A_2] : memref<2048xi32, #tpu.memory_space<hbm>> -> memref<64xi32, #tpu.memory_space<hbm>>
      %dma_start3A_8 = tpu.memref_slice %arg3[%mul3A_2] : memref<2048xi32, #tpu.memory_space<hbm>> -> memref<64xi32, #tpu.memory_space<hbm>>
      tpu.enqueue_dma source(%dma_start3A_8 : memref<64xi32, #tpu.memory_space<hbm>>) target(%arg5 : memref<64xi32, #tpu.memory_space<vmem>>) target_semaphore(%run_scoped3A : memref<!tpu.dma_semaphore, #tpu.memory_space<semaphore_mem>>)
      %dma_wait3A_9 = tpu.memref_slice %arg3[%mul3A_2] : memref<2048xi32, #tpu.memory_space<hbm>> -> memref<64xi32, #tpu.memory_space<hbm>>
      %dma_wait3A_10 = tpu.memref_slice %arg3[%mul3A_2] : memref<2048xi32, #tpu.memory_space<hbm>> -> memref<64xi32, #tpu.memory_space<hbm>>
      tpu.wait_dma2 semaphore(%run_scoped3A : memref<!tpu.dma_semaphore, #tpu.memory_space<semaphore_mem>>) src(%dma_wait3A_10 : memref<64xi32, #tpu.memory_space<hbm>>) dst(%arg5 : memref<64xi32, #tpu.memory_space<vmem>>)
      tpu.yield
    }) : () -> ()
    "tpu.region"() ({
      %run_scoped3A = tpu.sem_alloc : memref<!tpu.dma_semaphore, #tpu.memory_space<semaphore_mem>>
      %dma_start3A_7 = arith.constant 0 : i32
      %dma_start3A_8 = tpu.memref_slice %arg2[%mul3A_2, %dma_start3A_7] : memref<2048x1024xf32, #tpu.memory_space<hbm>> -> memref<64x1024xf32, #tpu.memory_space<hbm>>
      %dma_start3A_9 = arith.constant 0 : i32
      %dma_start3A_10 = tpu.memref_slice %arg2[%mul3A_2, %dma_start3A_9] : memref<2048x1024xf32, #tpu.memory_space<hbm>> -> memref<64x1024xf32, #tpu.memory_space<hbm>>
      tpu.enqueue_dma source(%dma_start3A_10 : memref<64x1024xf32, #tpu.memory_space<hbm>>) target(%arg6 : memref<64x1024xf32, #tpu.memory_space<vmem>>) target_semaphore(%run_scoped3A : memref<!tpu.dma_semaphore, #tpu.memory_space<semaphore_mem>>)
      %dma_wait3A_11 = arith.constant 0 : i32
      %dma_wait3A_12 = tpu.memref_slice %arg2[%mul3A_2, %dma_wait3A_11] : memref<2048x1024xf32, #tpu.memory_space<hbm>> -> memref<64x1024xf32, #tpu.memory_space<hbm>>
      %dma_wait3A_13 = arith.constant 0 : i32
      %dma_wait3A_14 = tpu.memref_slice %arg2[%mul3A_2, %dma_wait3A_13] : memref<2048x1024xf32, #tpu.memory_space<hbm>> -> memref<64x1024xf32, #tpu.memory_space<hbm>>
      tpu.wait_dma2 semaphore(%run_scoped3A : memref<!tpu.dma_semaphore, #tpu.memory_space<semaphore_mem>>) src(%dma_wait3A_14 : memref<64x1024xf32, #tpu.memory_space<hbm>>) dst(%arg6 : memref<64x1024xf32, #tpu.memory_space<vmem>>)
      tpu.yield
    }) : () -> ()
    %dma_start3A = arith.constant 0 : i32
    %dma_start3A_3 = arith.constant 0 : i32
    %dma_start3A_4 = tpu.memref_slice %arg4[%dma_start3A, %dma_start3A_3] : memref<2048x1024xf32, #tpu.memory_space<hbm>> -> memref<2048x1024xf32, #tpu.memory_space<hbm>>
    tpu.enqueue_indirect_dma source(%arg6 : memref<64x1024xf32, #tpu.memory_space<vmem>>) target(%dma_start3A_4 : memref<2048x1024xf32, #tpu.memory_space<hbm>>) offsets(%arg5 : memref<64xi32, #tpu.memory_space<vmem>>) semaphore(%arg7 : memref<!tpu.dma_semaphore, #tpu.memory_space<semaphore_mem>>)
    %dma_wait3A = arith.constant 0 : i32
    %dma_wait3A_5 = arith.constant 0 : i32
    %dma_wait3A_6 = tpu.memref_slice %arg4[%dma_wait3A, %dma_wait3A_5] : memref<2048x1024xf32, #tpu.memory_space<hbm>> -> memref<2048x1024xf32, #tpu.memory_space<hbm>>
    tpu.wait_indirect_dma semaphore(%arg7 : memref<!tpu.dma_semaphore, #tpu.memory_space<semaphore_mem>>) src(%arg6 : memref<64x1024xf32, #tpu.memory_space<vmem>>) dst(%dma_wait3A_6 : memref<2048x1024xf32, #tpu.memory_space<hbm>>)
    return
  }
}

#map = affine_map<(d0, d1) -> (0, 0)>
#map1 = affine_map<(d0, d1) -> (0)>
module attributes {stable_mosaic.version = 14 : i64} {
  func.func @gk(%arg0: i32, %arg1: i32, %arg2: memref<2048x1024xf32, #tpu.memory_space<hbm>>, %arg3: memref<2048xi32, #tpu.memory_space<hbm>>, %arg4: memref<2048x1024xf32, #tpu.memory_space<hbm>>, %arg5: memref<64xi32, #tpu.memory_space<vmem>>, %arg6: memref<64x1024xf32, #tpu.memory_space<vmem>>, %arg7: memref<!tpu.dma_semaphore, #tpu.memory_space<semaphore_mem>>) attributes {dimension_semantics = [#tpu.dimension_semantics<core_parallel>, #tpu.dimension_semantics<subcore_parallel>], iteration_bounds = array<i64: 2, 16>, scalar_prefetch = 0 : i64, scratch_operands = 3 : i64, tpu.core_type = #tpu.core_type<sc_vector_subcore>, window_params = [{transform_indices = #map}, {transform_indices = #map1}, {transform_indices = #map}]} {
    %mul3A = arith.constant 2 : i32
    %mul3A_0 = arith.muli %arg1, %mul3A : i32
    %add3A = arith.addi %mul3A_0, %arg0 : i32
    %mul3A_1 = arith.constant 64 : i32
    %mul3A_2 = arith.muli %add3A, %mul3A_1 : i32
    "tpu.region"() ({
      %run_scoped3A = tpu.sem_alloc : memref<!tpu.dma_semaphore, #tpu.memory_space<semaphore_mem>>
      %dma_start3A_7 = tpu.memref_slice %arg3[%mul3A_2] : memref<2048xi32, #tpu.memory_space<hbm>> -> memref<64xi32, #tpu.memory_space<hbm>>
      %dma_start3A_8 = tpu.memref_slice %arg3[%mul3A_2] : memref<2048xi32, #tpu.memory_space<hbm>> -> memref<64xi32, #tpu.memory_space<hbm>>
      tpu.enqueue_dma source(%dma_start3A_8 : memref<64xi32, #tpu.memory_space<hbm>>) target(%arg5 : memref<64xi32, #tpu.memory_space<vmem>>) target_semaphore(%run_scoped3A : memref<!tpu.dma_semaphore, #tpu.memory_space<semaphore_mem>>)
      %dma_wait3A_9 = tpu.memref_slice %arg3[%mul3A_2] : memref<2048xi32, #tpu.memory_space<hbm>> -> memref<64xi32, #tpu.memory_space<hbm>>
      %dma_wait3A_10 = tpu.memref_slice %arg3[%mul3A_2] : memref<2048xi32, #tpu.memory_space<hbm>> -> memref<64xi32, #tpu.memory_space<hbm>>
      tpu.wait_dma2 semaphore(%run_scoped3A : memref<!tpu.dma_semaphore, #tpu.memory_space<semaphore_mem>>) src(%dma_wait3A_10 : memref<64xi32, #tpu.memory_space<hbm>>) dst(%arg5 : memref<64xi32, #tpu.memory_space<vmem>>)
      tpu.yield
    }) : () -> ()
    %dma_start3A = arith.constant 0 : i32
    %dma_start3A_3 = arith.constant 0 : i32
    %dma_start3A_4 = tpu.memref_slice %arg2[%dma_start3A, %dma_start3A_3] : memref<2048x1024xf32, #tpu.memory_space<hbm>> -> memref<2048x1024xf32, #tpu.memory_space<hbm>>
    tpu.enqueue_indirect_dma source(%dma_start3A_4 : memref<2048x1024xf32, #tpu.memory_space<hbm>>) target(%arg6 : memref<64x1024xf32, #tpu.memory_space<vmem>>) offsets(%arg5 : memref<64xi32, #tpu.memory_space<vmem>>) semaphore(%arg7 : memref<!tpu.dma_semaphore, #tpu.memory_space<semaphore_mem>>)
    %dma_wait3A = arith.constant 0 : i32
    %dma_wait3A_5 = arith.constant 0 : i32
    %dma_wait3A_6 = tpu.memref_slice %arg2[%dma_wait3A, %dma_wait3A_5] : memref<2048x1024xf32, #tpu.memory_space<hbm>> -> memref<2048x1024xf32, #tpu.memory_space<hbm>>
    tpu.wait_indirect_dma semaphore(%arg7 : memref<!tpu.dma_semaphore, #tpu.memory_space<semaphore_mem>>) src(%dma_wait3A_6 : memref<2048x1024xf32, #tpu.memory_space<hbm>>) dst(%arg6 : memref<64x1024xf32, #tpu.memory_space<vmem>>)
    "tpu.region"() ({
      %run_scoped3A = tpu.sem_alloc : memref<!tpu.dma_semaphore, #tpu.memory_space<semaphore_mem>>
      %dma_start3A_7 = arith.constant 0 : i32
      %dma_start3A_8 = tpu.memref_slice %arg4[%mul3A_2, %dma_start3A_7] : memref<2048x1024xf32, #tpu.memory_space<hbm>> -> memref<64x1024xf32, #tpu.memory_space<hbm>>
      %dma_start3A_9 = arith.constant 0 : i32
      %dma_start3A_10 = tpu.memref_slice %arg4[%mul3A_2, %dma_start3A_9] : memref<2048x1024xf32, #tpu.memory_space<hbm>> -> memref<64x1024xf32, #tpu.memory_space<hbm>>
      tpu.enqueue_dma source(%arg6 : memref<64x1024xf32, #tpu.memory_space<vmem>>) target(%dma_start3A_10 : memref<64x1024xf32, #tpu.memory_space<hbm>>) target_semaphore(%run_scoped3A : memref<!tpu.dma_semaphore, #tpu.memory_space<semaphore_mem>>)
      %dma_wait3A_11 = arith.constant 0 : i32
      %dma_wait3A_12 = tpu.memref_slice %arg4[%mul3A_2, %dma_wait3A_11] : memref<2048x1024xf32, #tpu.memory_space<hbm>> -> memref<64x1024xf32, #tpu.memory_space<hbm>>
      %dma_wait3A_13 = arith.constant 0 : i32
      %dma_wait3A_14 = tpu.memref_slice %arg4[%mul3A_2, %dma_wait3A_13] : memref<2048x1024xf32, #tpu.memory_space<hbm>> -> memref<64x1024xf32, #tpu.memory_space<hbm>>
      tpu.wait_dma2 semaphore(%run_scoped3A : memref<!tpu.dma_semaphore, #tpu.memory_space<semaphore_mem>>) src(%arg6 : memref<64x1024xf32, #tpu.memory_space<vmem>>) dst(%dma_wait3A_14 : memref<64x1024xf32, #tpu.memory_space<hbm>>)
      tpu.yield
    }) : () -> ()
    return
  }
}

module attributes {stable_mosaic.version = 14 : i64} {
  func.func @_gmm_body(%arg0: i32, %arg1: memref<75xi32, #tpu.memory_space<smem>>, %arg2: memref<256x1024xf32, #tpu.memory_space<vmem>>, %arg3: memref<1x512x1024xf32, #tpu.memory_space<vmem>>, %arg4: memref<1x1x512xf32, #tpu.memory_space<vmem>>, %arg5: memref<256x512xf32, #tpu.memory_space<vmem>>) attributes {dimension_semantics = [#tpu.dimension_semantics<arbitrary>], iteration_bounds = array<i64: 15>, scalar_prefetch = 1 : i64, scratch_operands = 0 : i64, tpu.core_type = #tpu.core_type<tc>, window_params = [{transform_indices = @transform_0, window_bounds = array<i64: 256, 1024>}, {transform_indices = @transform_1, window_bounds = array<i64: 1, 512, 1024>}, {transform_indices = @transform_2, window_bounds = array<i64: 1, 1, 512>}, {transform_indices = @transform_3, window_bounds = array<i64: 256, 512>}]} {
    %add3A = arith.constant 30 : i32
    %add3A_0 = arith.addi %add3A, %arg0 : i32
    %get3A = arith.index_cast %add3A_0 : i32 to index
    %get3A_1 = memref.load %arg1[%get3A] : memref<75xi32, #tpu.memory_space<smem>>
    %add3A_2 = arith.constant 45 : i32
    %add3A_3 = arith.addi %add3A_2, %arg0 : i32
    %get3A_4 = arith.index_cast %add3A_3 : i32 to index
    %get3A_5 = memref.load %arg1[%get3A_4] : memref<75xi32, #tpu.memory_space<smem>>
    %add3A_6 = arith.constant 60 : i32
    %add3A_7 = arith.addi %add3A_6, %arg0 : i32
    %get3A_8 = arith.index_cast %add3A_7 : i32 to index
    %get3A_9 = memref.load %arg1[%get3A_8] : memref<75xi32, #tpu.memory_space<smem>>
    %lt3A = arith.cmpi slt, %get3A_1, %get3A_5 : i32
    %convert_element_type3A = arith.extui %lt3A : i1 to i32
    %cond3A = arith.constant 0 : i32
    %cond3A_10 = arith.cmpi ne, %convert_element_type3A, %cond3A : i32
    scf.if %cond3A_10 {
      %iota3A = tpu.iota {dimensions = array<i32: 0>} : vector<256x1xi32>
      %ge3A = vector.broadcast %get3A_1 : i32 to vector<256x1xi32>
      %ge3A_11 = arith.cmpi sge, %iota3A, %ge3A : vector<256x1xi32>
      %lt3A_12 = vector.broadcast %get3A_5 : i32 to vector<256x1xi32>
      %lt3A_13 = arith.cmpi slt, %iota3A, %lt3A_12 : vector<256x1xi32>
      %and3A = arith.andi %ge3A_11, %lt3A_13 : vector<256x1xi1>
      %get3A_14 = arith.constant 0 : index
      %get3A_15 = arith.constant 0 : index
      %get3A_16 = vector.load %arg2[%get3A_14, %get3A_15] : memref<256x1024xf32, #tpu.memory_space<vmem>>, vector<256x1024xf32>
      %convert_element_type3A_17 = arith.truncf %get3A_16 : vector<256x1024xf32> to vector<256x1024xbf16>
      %get3A_18 = arith.constant 0 : index
      %get3A_19 = arith.constant 0 : index
      %get3A_20 = arith.constant 0 : index
      %get3A_21 = vector.load %arg3[%get3A_18, %get3A_19, %get3A_20] : memref<1x512x1024xf32, #tpu.memory_space<vmem>>, vector<1x512x1024xf32>
      %get3A_22 = vector.shape_cast %get3A_21 : vector<1x512x1024xf32> to vector<512x1024xf32>
      %convert_element_type3A_23 = arith.truncf %get3A_22 : vector<512x1024xf32> to vector<512x1024xbf16>
      %dot_general3A = arith.constant dense<0.000000e+00> : vector<256x512xf32>
      %dot_general3A_24 = tpu.matmul %convert_element_type3A_17, %convert_element_type3A_23, %dot_general3A {dimension_numbers = #tpu.dot_dimension_numbers<[1], [1], [0], [0], [0, 0, 1, 0], [], []>, transpose_lhs_hint = false} : vector<256x1024xbf16>, vector<512x1024xbf16>, vector<256x512xf32> -> vector<256x512xf32>
      %get3A_25 = arith.constant 0 : index
      %get3A_26 = arith.constant 0 : index
      %get3A_27 = arith.constant 0 : index
      %get3A_28 = vector.load %arg4[%get3A_25, %get3A_26, %get3A_27] : memref<1x1x512xf32, #tpu.memory_space<vmem>>, vector<1x1x512xf32>
      %get3A_29 = vector.shape_cast %get3A_28 : vector<1x1x512xf32> to vector<1x512xf32>
      %add3A_30 = vector.broadcast %get3A_29 : vector<1x512xf32> to vector<256x512xf32>
      %add3A_31 = arith.addf %dot_general3A_24, %add3A_30 : vector<256x512xf32>
      %eq3A = arith.constant 1 : i32
      %eq3A_32 = arith.cmpi eq, %get3A_9, %eq3A : i32
      %convert_element_type3A_33 = arith.extui %eq3A_32 : i1 to i32
      %cond3A_34 = arith.constant 0 : i32
      %cond3A_35 = arith.cmpi ne, %convert_element_type3A_33, %cond3A_34 : i32
      scf.if %cond3A_35 {
        %jit3A = arith.constant 0 : i32
        %convert_element_type3A_41 = arith.sitofp %jit3A : i32 to f32
        %broadcast_in_dim3A = vector.shape_cast %and3A : vector<256x1xi1> to vector<256x1xi1>
        %broadcast_in_dim3A_42 = vector.broadcast %broadcast_in_dim3A : vector<256x1xi1> to vector<256x512xi1>
        %broadcast_in_dim3A_43 = vector.broadcast %convert_element_type3A_41 : f32 to vector<256x512xf32>
        %select_n3A = arith.select %broadcast_in_dim3A_42, %add3A_31, %broadcast_in_dim3A_43 : vector<256x512xi1>, vector<256x512xf32>
        %swap3A = arith.constant 0 : index
        %swap3A_44 = arith.constant 0 : index
        %swap3A_45 = vector.load %arg5[%swap3A, %swap3A_44] : memref<256x512xf32, #tpu.memory_space<vmem>>, vector<256x512xf32>
        tpu.vector_store %arg5[%swap3A, %swap3A_44], %select_n3A {strides = array<i32>} : memref<256x512xf32, #tpu.memory_space<vmem>>, vector<256x512xf32>,
      } else {
      }
      %eq3A_36 = arith.constant 0 : i32
      %eq3A_37 = arith.cmpi eq, %get3A_9, %eq3A_36 : i32
      %convert_element_type3A_38 = arith.extui %eq3A_37 : i1 to i32
      %cond3A_39 = arith.constant 0 : i32
      %cond3A_40 = arith.cmpi ne, %convert_element_type3A_38, %cond3A_39 : i32
      scf.if %cond3A_40 {
        %get3A_41 = arith.constant 0 : index
        %get3A_42 = arith.constant 0 : index
        %get3A_43 = vector.load %arg5[%get3A_41, %get3A_42] : memref<256x512xf32, #tpu.memory_space<vmem>>, vector<256x512xf32>
        %broadcast_in_dim3A = vector.shape_cast %and3A : vector<256x1xi1> to vector<256x1xi1>
        %broadcast_in_dim3A_44 = vector.broadcast %broadcast_in_dim3A : vector<256x1xi1> to vector<256x512xi1>
        %select_n3A = arith.select %broadcast_in_dim3A_44, %add3A_31, %get3A_43 : vector<256x512xi1>, vector<256x512xf32>
        %swap3A = arith.constant 0 : index
        %swap3A_45 = arith.constant 0 : index
        %swap3A_46 = vector.load %arg5[%swap3A, %swap3A_45] : memref<256x512xf32, #tpu.memory_space<vmem>>, vector<256x512xf32>
        tpu.vector_store %arg5[%swap3A, %swap3A_45], %select_n3A {strides = array<i32>} : memref<256x512xf32, #tpu.memory_space<vmem>>, vector<256x512xf32>,
      } else {
      }
    } else {
    }
    return
  }
  func.func @transform_0(%arg0: i32, %arg1: memref<75xi32, #tpu.memory_space<smem>>) -> (i32, i32) {
    %get3A = arith.index_cast %arg0 : i32 to index
    %get3A_0 = memref.load %arg1[%get3A] : memref<75xi32, #tpu.memory_space<smem>>
    %c0_i32 = arith.constant 0 : i32
    %c0_i32_1 = arith.constant 0 : i32
    return %get3A_0, %c0_i32 : i32, i32
  }
  func.func @transform_1(%arg0: i32, %arg1: memref<75xi32, #tpu.memory_space<smem>>) -> (i32, i32, i32) {
    %add3A = arith.constant 15 : i32
    %add3A_0 = arith.addi %add3A, %arg0 : i32
    %get3A = arith.index_cast %add3A_0 : i32 to index
    %get3A_1 = memref.load %arg1[%get3A] : memref<75xi32, #tpu.memory_space<smem>>
    %c0_i32 = arith.constant 0 : i32
    %c0_i32_2 = arith.constant 0 : i32
    %c0_i32_3 = arith.constant 0 : i32
    return %get3A_1, %c0_i32, %c0_i32_2 : i32, i32, i32
  }
  func.func @transform_2(%arg0: i32, %arg1: memref<75xi32, #tpu.memory_space<smem>>) -> (i32, i32, i32) {
    %add3A = arith.constant 15 : i32
    %add3A_0 = arith.addi %add3A, %arg0 : i32
    %get3A = arith.index_cast %add3A_0 : i32 to index
    %get3A_1 = memref.load %arg1[%get3A] : memref<75xi32, #tpu.memory_space<smem>>
    %c0_i32 = arith.constant 0 : i32
    %c0_i32_2 = arith.constant 0 : i32
    %c0_i32_3 = arith.constant 0 : i32
    return %get3A_1, %c0_i32, %c0_i32_2 : i32, i32, i32
  }
  func.func @transform_3(%arg0: i32, %arg1: memref<75xi32, #tpu.memory_space<smem>>) -> (i32, i32) {
    %get3A = arith.index_cast %arg0 : i32 to index
    %get3A_0 = memref.load %arg1[%get3A] : memref<75xi32, #tpu.memory_space<smem>>
    %c0_i32 = arith.constant 0 : i32
    %c0_i32_1 = arith.constant 0 : i32
    return %get3A_0, %c0_i32 : i32, i32
  }
}

module attributes {stable_mosaic.version = 14 : i64} {
  func.func @_gmm_body(%arg0: i32, %arg1: memref<75xi32, #tpu.memory_space<smem>>, %arg2: memref<256x512xf32, #tpu.memory_space<vmem>>, %arg3: memref<1x1024x512xf32, #tpu.memory_space<vmem>>, %arg4: memref<1x1x1024xf32, #tpu.memory_space<vmem>>, %arg5: memref<256x1024xf32, #tpu.memory_space<vmem>>) attributes {dimension_semantics = [#tpu.dimension_semantics<arbitrary>], iteration_bounds = array<i64: 15>, scalar_prefetch = 1 : i64, scratch_operands = 0 : i64, tpu.core_type = #tpu.core_type<tc>, window_params = [{transform_indices = @transform_0, window_bounds = array<i64: 256, 512>}, {transform_indices = @transform_1, window_bounds = array<i64: 1, 1024, 512>}, {transform_indices = @transform_2, window_bounds = array<i64: 1, 1, 1024>}, {transform_indices = @transform_3, window_bounds = array<i64: 256, 1024>}]} {
    %add3A = arith.constant 30 : i32
    %add3A_0 = arith.addi %add3A, %arg0 : i32
    %get3A = arith.index_cast %add3A_0 : i32 to index
    %get3A_1 = memref.load %arg1[%get3A] : memref<75xi32, #tpu.memory_space<smem>>
    %add3A_2 = arith.constant 45 : i32
    %add3A_3 = arith.addi %add3A_2, %arg0 : i32
    %get3A_4 = arith.index_cast %add3A_3 : i32 to index
    %get3A_5 = memref.load %arg1[%get3A_4] : memref<75xi32, #tpu.memory_space<smem>>
    %add3A_6 = arith.constant 60 : i32
    %add3A_7 = arith.addi %add3A_6, %arg0 : i32
    %get3A_8 = arith.index_cast %add3A_7 : i32 to index
    %get3A_9 = memref.load %arg1[%get3A_8] : memref<75xi32, #tpu.memory_space<smem>>
    %lt3A = arith.cmpi slt, %get3A_1, %get3A_5 : i32
    %convert_element_type3A = arith.extui %lt3A : i1 to i32
    %cond3A = arith.constant 0 : i32
    %cond3A_10 = arith.cmpi ne, %convert_element_type3A, %cond3A : i32
    scf.if %cond3A_10 {
      %iota3A = tpu.iota {dimensions = array<i32: 0>} : vector<256x1xi32>
      %ge3A = vector.broadcast %get3A_1 : i32 to vector<256x1xi32>
      %ge3A_11 = arith.cmpi sge, %iota3A, %ge3A : vector<256x1xi32>
      %lt3A_12 = vector.broadcast %get3A_5 : i32 to vector<256x1xi32>
      %lt3A_13 = arith.cmpi slt, %iota3A, %lt3A_12 : vector<256x1xi32>
      %and3A = arith.andi %ge3A_11, %lt3A_13 : vector<256x1xi1>
      %get3A_14 = arith.constant 0 : index
      %get3A_15 = arith.constant 0 : index
      %get3A_16 = vector.load %arg2[%get3A_14, %get3A_15] : memref<256x512xf32, #tpu.memory_space<vmem>>, vector<256x512xf32>
      %convert_element_type3A_17 = arith.truncf %get3A_16 : vector<256x512xf32> to vector<256x512xbf16>
      %get3A_18 = arith.constant 0 : index
      %get3A_19 = arith.constant 0 : index
      %get3A_20 = arith.constant 0 : index
      %get3A_21 = vector.load %arg3[%get3A_18, %get3A_19, %get3A_20] : memref<1x1024x512xf32, #tpu.memory_space<vmem>>, vector<1x1024x512xf32>
      %get3A_22 = vector.shape_cast %get3A_21 : vector<1x1024x512xf32> to vector<1024x512xf32>
      %convert_element_type3A_23 = arith.truncf %get3A_22 : vector<1024x512xf32> to vector<1024x512xbf16>
      %dot_general3A = arith.constant dense<0.000000e+00> : vector<256x1024xf32>
      %dot_general3A_24 = tpu.matmul %convert_element_type3A_17, %convert_element_type3A_23, %dot_general3A {dimension_numbers = #tpu.dot_dimension_numbers<[1], [1], [0], [0], [0, 0, 1, 0], [], []>, transpose_lhs_hint = false} : vector<256x512xbf16>, vector<1024x512xbf16>, vector<256x1024xf32> -> vector<256x1024xf32>
      %get3A_25 = arith.constant 0 : index
      %get3A_26 = arith.constant 0 : index
      %get3A_27 = arith.constant 0 : index
      %get3A_28 = vector.load %arg4[%get3A_25, %get3A_26, %get3A_27] : memref<1x1x1024xf32, #tpu.memory_space<vmem>>, vector<1x1x1024xf32>
      %get3A_29 = vector.shape_cast %get3A_28 : vector<1x1x1024xf32> to vector<1x1024xf32>
      %add3A_30 = vector.broadcast %get3A_29 : vector<1x1024xf32> to vector<256x1024xf32>
      %add3A_31 = arith.addf %dot_general3A_24, %add3A_30 : vector<256x1024xf32>
      %eq3A = arith.constant 1 : i32
      %eq3A_32 = arith.cmpi eq, %get3A_9, %eq3A : i32
      %convert_element_type3A_33 = arith.extui %eq3A_32 : i1 to i32
      %cond3A_34 = arith.constant 0 : i32
      %cond3A_35 = arith.cmpi ne, %convert_element_type3A_33, %cond3A_34 : i32
      scf.if %cond3A_35 {
        %jit3A = arith.constant 0 : i32
        %convert_element_type3A_41 = arith.sitofp %jit3A : i32 to f32
        %broadcast_in_dim3A = vector.shape_cast %and3A : vector<256x1xi1> to vector<256x1xi1>
        %broadcast_in_dim3A_42 = vector.broadcast %broadcast_in_dim3A : vector<256x1xi1> to vector<256x1024xi1>
        %broadcast_in_dim3A_43 = vector.broadcast %convert_element_type3A_41 : f32 to vector<256x1024xf32>
        %select_n3A = arith.select %broadcast_in_dim3A_42, %add3A_31, %broadcast_in_dim3A_43 : vector<256x1024xi1>, vector<256x1024xf32>
        %swap3A = arith.constant 0 : index
        %swap3A_44 = arith.constant 0 : index
        %swap3A_45 = vector.load %arg5[%swap3A, %swap3A_44] : memref<256x1024xf32, #tpu.memory_space<vmem>>, vector<256x1024xf32>
        tpu.vector_store %arg5[%swap3A, %swap3A_44], %select_n3A {strides = array<i32>} : memref<256x1024xf32, #tpu.memory_space<vmem>>, vector<256x1024xf32>,
      } else {
      }
      %eq3A_36 = arith.constant 0 : i32
      %eq3A_37 = arith.cmpi eq, %get3A_9, %eq3A_36 : i32
      %convert_element_type3A_38 = arith.extui %eq3A_37 : i1 to i32
      %cond3A_39 = arith.constant 0 : i32
      %cond3A_40 = arith.cmpi ne, %convert_element_type3A_38, %cond3A_39 : i32
      scf.if %cond3A_40 {
        %get3A_41 = arith.constant 0 : index
        %get3A_42 = arith.constant 0 : index
        %get3A_43 = vector.load %arg5[%get3A_41, %get3A_42] : memref<256x1024xf32, #tpu.memory_space<vmem>>, vector<256x1024xf32>
        %broadcast_in_dim3A = vector.shape_cast %and3A : vector<256x1xi1> to vector<256x1xi1>
        %broadcast_in_dim3A_44 = vector.broadcast %broadcast_in_dim3A : vector<256x1xi1> to vector<256x1024xi1>
        %select_n3A = arith.select %broadcast_in_dim3A_44, %add3A_31, %get3A_43 : vector<256x1024xi1>, vector<256x1024xf32>
        %swap3A = arith.constant 0 : index
        %swap3A_45 = arith.constant 0 : index
        %swap3A_46 = vector.load %arg5[%swap3A, %swap3A_45] : memref<256x1024xf32, #tpu.memory_space<vmem>>, vector<256x1024xf32>
        tpu.vector_store %arg5[%swap3A, %swap3A_45], %select_n3A {strides = array<i32>} : memref<256x1024xf32, #tpu.memory_space<vmem>>, vector<256x1024xf32>,
      } else {
      }
    } else {
    }
    return
  }
  func.func @transform_0(%arg0: i32, %arg1: memref<75xi32, #tpu.memory_space<smem>>) -> (i32, i32) {
    %get3A = arith.index_cast %arg0 : i32 to index
    %get3A_0 = memref.load %arg1[%get3A] : memref<75xi32, #tpu.memory_space<smem>>
    %c0_i32 = arith.constant 0 : i32
    %c0_i32_1 = arith.constant 0 : i32
    return %get3A_0, %c0_i32 : i32, i32
  }
  func.func @transform_1(%arg0: i32, %arg1: memref<75xi32, #tpu.memory_space<smem>>) -> (i32, i32, i32) {
    %add3A = arith.constant 15 : i32
    %add3A_0 = arith.addi %add3A, %arg0 : i32
    %get3A = arith.index_cast %add3A_0 : i32 to index
    %get3A_1 = memref.load %arg1[%get3A] : memref<75xi32, #tpu.memory_space<smem>>
    %c0_i32 = arith.constant 0 : i32
    %c0_i32_2 = arith.constant 0 : i32
    %c0_i32_3 = arith.constant 0 : i32
    return %get3A_1, %c0_i32, %c0_i32_2 : i32, i32, i32
  }
  func.func @transform_2(%arg0: i32, %arg1: memref<75xi32, #tpu.memory_space<smem>>) -> (i32, i32, i32) {
    %add3A = arith.constant 15 : i32
    %add3A_0 = arith.addi %add3A, %arg0 : i32
    %get3A = arith.index_cast %add3A_0 : i32 to index
    %get3A_1 = memref.load %arg1[%get3A] : memref<75xi32, #tpu.memory_space<smem>>
    %c0_i32 = arith.constant 0 : i32
    %c0_i32_2 = arith.constant 0 : i32
    %c0_i32_3 = arith.constant 0 : i32
    return %get3A_1, %c0_i32, %c0_i32_2 : i32, i32, i32
  }
  func.func @transform_3(%arg0: i32, %arg1: memref<75xi32, #tpu.memory_space<smem>>) -> (i32, i32) {
    %get3A = arith.index_cast %arg0 : i32 to index
    %get3A_0 = memref.load %arg1[%get3A] : memref<75xi32, #tpu.memory_space<smem>>
    %c0_i32 = arith.constant 0 : i32
    %c0_i32_1 = arith.constant 0 : i32
    return %get3A_0, %c0_i32 : i32, i32
  }
}

</mosaic_0001>

<sc_bundles>
// kernel: kernel.10.cloned.1.call-start
scs
__scs_entry_jumppad:
0x0: {  	(pc) =	sbr.rel $0x88, $3  }
0x1: {  	(tag) =	ssettag $0x0;
	lr =	simm.s32 $0x1  }
0x2: {  	[smem:$0x3F9A] =	sst lr;
	_ =	strace $0xD0000000  }
0x3: {  	_ = 	snop  }
0x4: {  	_ = 	snop  }
0x5: {  	_ = 	snop  }
0x6: {  	_ = 	snop  }
0x7: {  	_ = 	snop  }
__scs_overlays_trampoline_lowered:
0x8: {  	[smem:$0x3FA9] =	sst s0  }
0x9: {  	[smem:$0x3FAA] =	sst s1  }
0xa: {  	[smem:$0x3FAB] =	sst s2  }
0xb: {  	[smem:$0x3FAC] =	sst s3  }
0xc: {  	[smem:$0x3FAD] =	sst s4  }
0xd: {  	[smem:$0x3FAE] =	sst s5  }
0xe: {  	[smem:$0x3FAF] =	sst s6  }
0xf: {  	[smem:$0x3FB0] =	sst s7  }
0x10: {  	[smem:$0x3FB1] =	sst s8  }
0x11: {  	[smem:$0x3FB2] =	sst s9;
	s0 =	simm.s32 @!p0 $0x0  }
0x12: {  	s1 =	sld [smem:$0x3F98];
	s0 =	simm.s32 @p0 $0x1  }
0x13: {  	[smem:$0x3FB3] =	sst s0;
	s0 =	simm.s32 @!p1 $0x0  }
0x14: {  	s2 =	sld [smem:$0x3F97];
	s0 =	simm.s32 @p1 $0x1  }
0x15: {  	[smem:$0x3FB4] =	sst s0;
	s0 =	simm.s32 @!p2 $0x0  }
0x16: {  	s3 =	sld [smem:$0x3FDB];
	s0 =	simm.s32 @p2 $0x1  }
0x17: {  	s4 =	simm.s32 $0x1BF5;
	[smem:$0x3FB6] =	sst s0  }
0x18: {  	s0 =	sld [smem:$0x3F99];
	_ =	swait.ge [sflag:s4], $0x0  }
0x19: {  	s7 =	sld [smem:$0x3F9A]  }
0x1a: {  	s8 =	sadd.s32 $0xFFFFE003, lr  }
0x1b: {  	s9 =	sadd.s32 $0xFFFFFEF7, lr;
	s5 =	simm.s32 $0xFFFFFFFF;
	p2 =	slt.u32 s8, $0xFFFFF086  }
0x1c: {  	p1 =	slt.u32 s9, $0xF7A;
	s5 =	simm.s32 @!p2 $0x0  }
0x1d: {  	s5 =	simm.s32 @p1 $0x1;
	p0 =	seq.s32 s7, s2  }
0x1e: {  	s7 =	smul.u32 @!p0 $0xF7A, s2;
	p2 =	seq.s32 @!p0 s5, $0x0  }
0x1f: {  	s9 =	smul.u32 $0xF7A, s1;
	s8 =	simm.s32 @!p0 $0x1BF5;
	p2 =	por !p2, p0  }
0x20: {  	[sflag:s8] =	ssyncset.s32 @!p0 $0xFFFFF086;
	s6 =	sadd.s32 @!p0 s3, s7;
	s7 =	simm.s32 @!p0 $0x108  }
0x21: {  	s3 =	sadd.s32 s3, s9;
	s6 =	sadd.s32 @!p0 $0x88, s6;
	s7 =	simm.s32 @p2 $0x1082  }
0x22: {  	[simem:s7], [sflag:s8] =	dma.local @!p0 [hbm:s6], $0xF7A  }
0x23: {  	s9 =	sor.u32 $0xD0000000, s2;
	s6 =	simm.s32 $0x108;
	_ =	swait.ge @!p0 [sflag:s8], $0x0  }
0x24: {  	s3 =	sadd.s32 $0x88, s3;
	s6 =	simm.s32 @!p1 $0x1082;
	[sflag:s4] =	ssyncset.s32 $0xFFFFF086  }
0x25: {  	[simem:s6], [sflag:s4] =	dma.local [hbm:s3], $0xF7A  }
0x26: {  	[smem:$0x3F9A] =	sst s1;
	(tag) =	ssettag s2;
	_ =	strace s9  }
0x27: {  	s1 =	sld [smem:$0x3FAA]  }
0x28: {  	s2 =	sld [smem:$0x3FAB]  }
0x29: {  	s4 =	sld [smem:$0x3FAD]  }
0x2a: {  	p0 =	seq.s32 s5, $0x0;
	s5 =	sld [smem:$0x3FAE]  }
0x2b: {  	s6 =	sld [smem:$0x3FAF]  }
0x2c: {  	s7 =	sld [smem:$0x3FB0]  }
0x2d: {  	s3 =	simm.s32 $0x108;
	s8 =	sld [smem:$0x3FB1]  }
0x2e: {  	s3 =	simm.s32 @!p0 $0x1082;
	s9 =	sld [smem:$0x3FB2]  }
0x2f: {  	lr =	sadd.s32 s0, s3;
	s0 =	sld [smem:$0x3FA9]  }
0x30: {  	s3 =	sld [smem:$0x3FAC]  }
0x31: {  	[smem:$0x3FB5] =	sst s10  }
0x32: {  	s10 =	sld [smem:$0x3FB3];
	_ =	sdelay $0x3  }
0x33: {  	p0 =	seq.s32 s10, $0x1;
	s10 =	sld [smem:$0x3FB5];
	_ =	sdelay $0x3  }
0x34: {  	[smem:$0x3FB5] =	sst s10  }
0x35: {  	s10 =	sld [smem:$0x3FB4];
	_ =	sdelay $0x3  }
0x36: {  	p1 =	seq.s32 s10, $0x1;
	s10 =	sld [smem:$0x3FB5];
	_ =	sdelay $0x3  }
0x37: {  	[smem:$0x3FB5] =	sst s10  }
0x38: {  	s10 =	sld [smem:$0x3FB6]  }
0x39: {  	_ = 	snop;
	(pc) =	sbr.ind lr, $3  }
0x3a: {  	_ = 	snop  }
0x3b: {  	_ = 	snop  }
0x3c: {  	p2 =	seq.s32 s10, $0x1;
	s10 =	sld [smem:$0x3FB5]  }
0x3d: {  	_ =	shalt  }
0x3e: {  	_ =	shalt  }
0x3f: {  	_ =	shalt  }
0x40: {  	_ =	shalt  }
0x41: {  	_ =	shalt  }
0x42: {  	_ =	shalt  }
0x43: {  	_ =	shalt  }
0x44: {  	_ =	shalt  }
0x45: {  	_ =	shalt  }
0x46: {  	_ =	shalt  }
0x47: {  	_ =	shalt  }
0x48: {  	_ =	shalt  }
0x49: {  	_ =	shalt  }
0x4a: {  	_ =	shalt  }
0x4b: {  	_ =	shalt  }
0x4c: {  	_ =	shalt  }
0x4d: {  	_ =	shalt  }
0x4e: {  	_ =	shalt  }
0x4f: {  	_ =	shalt  }
0x50: {  	_ =	shalt  }
0x51: {  	_ =	shalt  }
0x52: {  	_ =	shalt  }
0x53: {  	_ =	shalt  }
0x54: {  	_ =	shalt  }
0x55: {  	_ =	shalt  }
0x56: {  	_ =	shalt  }
0x57: {  	_ =	shalt  }
0x58: {  	_ =	shalt  }
0x59: {  	_ =	shalt  }
0x5a: {  	_ =	shalt  }
0x5b: {  	_ =	shalt  }
0x5c: {  	_ =	shalt  }
0x5d: {  	_ =	shalt  }
0x5e: {  	_ =	shalt  }
0x5f: {  	_ =	shalt  }
0x60: {  	_ =	shalt  }
0x61: {  	_ =	shalt  }
0x62: {  	_ =	shalt  }
0x63: {  	_ =	shalt  }
0x64: {  	_ =	shalt  }
0x65: {  	_ =	shalt  }
0x66: {  	_ =	shalt  }
0x67: {  	_ =	shalt  }
0x68: {  	_ =	shalt  }
0x69: {  	_ =	shalt  }
0x6a: {  	_ =	shalt  }
0x6b: {  	_ =	shalt  }
0x6c: {  	_ =	shalt  }
0x6d: {  	_ =	shalt  }
0x6e: {  	_ =	shalt  }
0x6f: {  	_ =	shalt  }
0x70: {  	_ =	shalt  }
0x71: {  	_ =	shalt  }
0x72: {  	_ =	shalt  }
0x73: {  	_ =	shalt  }
0x74: {  	_ =	shalt  }
0x75: {  	_ =	shalt  }
0x76: {  	_ =	shalt  }
0x77: {  	_ =	shalt  }
0x78: {  	_ =	shalt  }
0x79: {  	_ =	shalt  }
0x7a: {  	_ =	shalt  }
0x7b: {  	_ =	shalt  }
0x7c: {  	_ =	shalt  }
0x7d: {  	_ =	shalt  }
0x7e: {  	_ =	shalt  }
0x7f: {  	_ =	shalt  }
0x80: {  	_ =	shalt  }
0x81: {  	_ =	shalt  }
0x82: {  	_ =	shalt  }
0x83: {  	_ =	shalt  }
0x84: {  	_ =	shalt  }
0x85: {  	_ =	shalt  }
0x86: {  	_ =	shalt  }
0x87: {  	_ =	shalt  }
.Lfunc_end0:
.L_simem_size_0:
called_computation.1_lowered:
.L_overlay_start_0:
0x88: {  	s2 =	sld [smem:$0x3FD9]  }
0x89: {  	s3 =	sld [smem:$0x3FFE];
	_ =	sdelay $0x1  }
0x8a: {  	s1 =	srdreg.scid  }
0x8b: {  	s0 =	sand.u32 $0x1, s1  }
0x8c: {  	s17 =	sshll.u32 s0, $0xA;
	s2 =	sadd.s32 s3, s2  }
0x8d: {  	s2 =	sadd.s32 s2, s17  }
0x8e: {  	[smem:$0x3FC1] =	sst s2  }
0x8f: {  	_ = 	snop  }
0x90: {  	s2 =	sld [smem:$0x3FD0];
	(tm) =	ssettm $0x1  }
0x91: {  	s18 =	sld [smem:$0x3FFB];
	_ =	sdelay $0x3  }
0x92: {  	_ =	strace s18  }
0x93: {  	s3 =	sld [smem:$0x3FFC];
	_ =	sdelay $0x3  }
0x94: {  	_ =	strace s3  }
0x95: {  	s3 =	sld [smem:$0x3FFD];
	_ =	sdelay $0x3  }
0x96: {  	_ =	strace s3  }
0x97: {  	_ =	strace $0x8FFFFFFF  }
0x98: {  	s19 =	sld [smem:$0x3FDB];
	_ =	sdelay $0x1  }
0x99: {  	s4 =	simm.s32 $_scs_section_size  }
0x9a: {  	s5 =	simm.s32 $_size__tile_overlayer_lowered;
	s6 =	simm.s32 $_tile_overlayer_lowered  }
0x9b: {  	s22 =	simm.s32 $0x1BFF;
	s21 =	sshll.u32 s6, $0x1;
	s3 =	sadd.s32 s4, s19  }
0x9c: {  	s7 =	simm.s32 $0x0;
	s20 =	sshll.u32 s5, $0x1;
	s5 =	sadd.s32 s21, s3  }
0x9d: {  	[timem:s7], [sflag:s22] =	dma.local [hbm:s5], s20  }
0x9e: {  	_ =	swait.ge [sflag:s22], s20  }
0x9f: {  	s4 =	ssub.s32 $0x0, s20;
	[sflag:s22] =	ssyncset.done $0x0  }
0xa0: {  	[sflag:s22] =	ssyncadd.s32 s4;
	_ =	sdelay $0x1  }
0xa1: {  	s23 =	simm.s32 $0x1B8B  }
0xa2: {  	_ =	swait.ge [sflag:s23], $0x1  }
0xa3: {  	[sflag:s23] =	ssyncset.done $0x0  }
0xa4: {  	s25 =	simm.s32 $0x1B8E;
	s24 =	sld [smem:$0x3FFE];
	[sflag:s23] =	ssyncadd.s32 $0xFFFFFFFF  }
0xa5: {  	s26 =	simm.s32 $execute0_lowered;
	[smem:$0x3FD2] =	sst s25  }
0xa6: {  	s5 =	sshll.u32 s26, $0x1;
	_ =	strace $0x80000049;
	[dreg:$0x1] =	wrdreg $0xFFFFFFFF  }
0xa7: {  	s28 =	simm.s32 $_size_execute0_lowered;
	s3 =	sadd.s32 s3, s5;
	[dreg:$0x0] =	wrdreg $0x0  }
0xa8: {  	s5 =	sshll.u32 s28, $0x1;
	[dreg:$0x2] =	wrdreg s3  }
0xa9: {  	[dreg:$0x3] =	wrdreg s5  }
0xaa: {  	[dreg:$0x4] =	wrdreg $0xC0  }
0xab: {  	_ =	task [dreg:s7], $0x5FFFF  }
0xac: {  	[dreg:$0x1] =	wrdreg $0xFFFFFFFF  }
0xad: {  	[dreg:$0x0] =	wrdreg $0x60  }
0xae: {  	[dreg:$0x2] =	wrdreg s2  }
0xaf: {  	[dreg:$0x3] =	wrdreg s24  }
0xb0: {  	[dreg:$0x4] =	wrdreg $0x9  }
0xb1: {  	_ =	task.clear_ibuf [dreg:s7], $0x5FFFF;
	_ =	strace $0x90000049  }
0xb2: {  	s29 =	simm.s32 $0x9;
	_ =	strace $0x8000004B  }
0xb3: {  	_ =	swait.ge [sflag:s29], $0x1  }
0xb4: {  	[sflag:s29] =	ssyncadd.s32 $0xFFFFFFFF  }
0xb5: {  	_ =	strace $0x9000004B  }
0xb6: {  	_ =	sfence  }
0xb7: {  	s30 =	sld [smem:$0x0];
	_ =	sdelay $0x2  }
0xb8: {  	s31 =	sshll.u32 s1, $0xD;
	s1 =	sshrl.u32 s1, $0x2  }
0xb9: {  	s3 =	sand.u32 $0x4000, s31;
	s1 =	sadd.s32 s1, s30  }
0xba: {  	s0 =	sor.u32 s3, s0;
	s1 =	sshll.u32 s1, $0x11  }
0xbb: {  	s0 =	sor.u32 s1, s0  }
0xbc: {  	s0 =	sadd.s32 $0x8F2B, s0  }
0xbd: {  	[sflag:s0] =	ssyncadd.remote.s32 $0x1  }
0xbe: {  	_ =	sfence.sel $0xFFFF  }
0xbf: {  	[dreg:$0x0] =	wrdreg $0xFFFFFFFF;
	(pc) =	sbr.abs _section_cstart, $3  }
0xc0: {  	[dreg:$0x1] =	wrdreg $0xFFFFFFFF  }
0xc1: {  	_ =	task.clear_ibuf [dreg:s7], $0x2FFFF;
	_ =	strace $0x9FFFFFFF  }
0xc2: {  	(tm) =	ssettm $0x7FFFFFFF  }
0xc3: {  	_ =	shalt  }
tec
execute0_lowered:
.L_overlay_start_1:
0x0: {  	(tag) =	ssettag $0x1  }
0x1: {  	s1 =	rddreg [dreg:$0x0]  }
0x2: {  	s8 =	rddreg [dreg:$0x1]  }
0x3: {  	s0 =	rddreg [dreg:$0x2];
	s3 =	simm.s32 $0x0;
	s4 =	srdreg.scid  }
0x4: {  	s2 =	stileid.u32;
	s10 =	simm.s32 $0x3;
	s11 =	simm.s32 $0x80  }
0x5: {  	s12 =	simm.s32 $0x100;
	s13 =	simm.s32 $0x900;
	s14 =	simm.s32 $0x1100  }
0x6: {  	s15 =	simm.s32 $0x1900;
	s16 =	simm.s32 $0x2100;
	s17 =	simm.s32 $0x2900  }
0x7: {  	s18 =	simm.s32 $0x3100;
	s19 =	simm.s32 $0x3900;
	s20 =	simm.s32 $0x4100  }
0x8: {  	s21 =	simm.s32 $0x4900;
	s22 =	simm.s32 $0x5100;
	s23 =	simm.s32 $0x5900  }
0x9: {  	s24 =	simm.s32 $0x6100;
	s25 =	simm.s32 $0x6900;
	s26 =	simm.s32 $0x7100  }
0xa: {  	s28 =	simm.s32 $0x7900;
	s29 =	simm.s32 $0x1;
	s30 =	simm.s32 $0x2  }
0xb: {  	[smem:$0x7FF] =	sst s3;
	s4 =	sand.u32 $0x1, s4;
	s6 =	sshll.u32 s2, $0x4  }
0xc: {  	s5 =	ssub.s32 $0x2, s4;
	s4 =	sshll.u32 s4, $0x3;
	_ =	strace $0x8000004A  }
0xd: {  	v2 =	vlaneseq.u32;
	s7 =	sshrl.u32 s5, $0x1;
	s6 =	sor.u32 s4, s6;
	s4 =	sadd.s32 $0x400, s8  }
0xe: {  	vm0 =	vmmov $0xffff;
	v1 =	vshrl.u32 v2, $0x3;
	s9 =	ssub.s32 s5, s7;
	s5 =	sadd.s32 s8, s6;
	s7 =	sadd.s32 $0x100, s1  }
0xf: {  	v0 =	vand.u32 $0x7, v2;
	v2 =	vor.u32 $0x8, v2;
	v1 =	vmul.u32 $0x8, v1;
	s8 =	sadd.s32 $0x500, s8;
	s6 =	sadd.s32 $0x200, s5;
	s9 =	smax.u32 s9, $0x1  }
.LBB2_1:
0x10: {  	[tilespmem:s3], [sflag:$0x3] =	stream.linear.gather [hbm4b:s5+s3], $0x40, $0x38;
	[tilespmem:$0x8100] =	vst v63  }
0x11: {  	_ =	swait.ge [sflag:s10], $0x40  }
0x12: {  	[sflag:s10] =	ssyncset.done $0x0  }
0x13: {  	[sflag:s10] =	ssyncadd.s32 $0xFFFFFFC0  }
0x14: {  	[tilespmem:s11], [sflag:$0x3] =	stream.linear.gather [hbm4b:s6+s3], $0x40, $0x38;
	[tilespmem:$0x8100] =	vst v63  }
0x15: {  	_ =	swait.ge [sflag:s10], $0x40  }
0x16: {  	[sflag:s10] =	ssyncset.done $0x0  }
0x17: {  	[sflag:s10] =	ssyncadd.s32 $0xFFFFFFC0  }
0x18: {  	v3 =	vld [tilespmem:$0x0];
	_ =	sdelay $0x4  }
0x19: {  	v4 =	vshll.u32 v3, $0x2  }
0x1a: {  	v3 =	vand.u32 $0x7, v3;
	v4 =	vand.u32 $0xFFFFFFE0, v4  }
0x1b: {  	v3 =	vor.u32 v3, v4  }
0x1c: {  	v4 =	vperm.xlane v3, v0;
	_ =	sdelay $0x1  }
0x1d: {  	v4 =	vadd.s32 v1, v4;
	_ =	sdelay $0x1  }
0x1e: {  	v3 =	vperm.xlane v3, v2;
	_ =	sdelay $0x1  }
0x1f: {  	v3 =	vadd.s32 v1, v3  }
0x20: {  	[tilespmem:s12], [sflag:$0x1] =	stream.indirect_vreg.gather [hbm4b:s1+s3], $0x80, v4, vm0, $0xb8;
	[tilespmem:$0x8100] =	vst v63  }
0x21: {  	_ = 	snop  }
0x22: {  	[tilespmem:s13], [sflag:$0x1] =	stream.indirect_vreg.gather [hbm4b:s7+s3], $0x80, v4, vm0, $0xb8;
	[tilespmem:$0x8100] =	vst v63  }
0x23: {  	_ = 	snop  }
0x24: {  	[tilespmem:s14], [sflag:$0x1] =	stream.indirect_vreg.gather [hbm4b:s1+s3], $0x80, v3, vm0, $0xb8;
	[tilespmem:$0x8100] =	vst v63  }
0x25: {  	_ = 	snop  }
0x26: {  	[tilespmem:s15], [sflag:$0x1] =	stream.indirect_vreg.gather [hbm4b:s7+s3], $0x80, v3, vm0, $0xb8;
	[tilespmem:$0x8100] =	vst v63  }
0x27: {  	v3 =	vld [tilespmem:$0x10];
	_ =	sdelay $0x4  }
0x28: {  	v57 =	vshll.u32 v3, $0x2  }
0x29: {  	v3 =	vand.u32 $0x7, v3;
	v4 =	vand.u32 $0xFFFFFFE0, v57  }
0x2a: {  	v3 =	vor.u32 v3, v4  }
0x2b: {  	v4 =	vperm.xlane v3, v0;
	_ =	sdelay $0x1  }
0x2c: {  	v4 =	vadd.s32 v1, v4;
	_ =	sdelay $0x1  }
0x2d: {  	v3 =	vperm.xlane v3, v2;
	_ =	sdelay $0x1  }
0x2e: {  	v3 =	vadd.s32 v1, v3  }
0x2f: {  	[tilespmem:s16], [sflag:$0x1] =	stream.indirect_vreg.gather [hbm4b:s1+s3], $0x80, v4, vm0, $0xb8;
	[tilespmem:$0x8100] =	vst v63  }
0x30: {  	_ = 	snop  }
0x31: {  	[tilespmem:s17], [sflag:$0x1] =	stream.indirect_vreg.gather [hbm4b:s7+s3], $0x80, v4, vm0, $0xb8;
	[tilespmem:$0x8100] =	vst v63  }
0x32: {  	_ = 	snop  }
0x33: {  	[tilespmem:s18], [sflag:$0x1] =	stream.indirect_vreg.gather [hbm4b:s1+s3], $0x80, v3, vm0, $0xb8;
	[tilespmem:$0x8100] =	vst v63  }
0x34: {  	_ = 	snop  }
0x35: {  	[tilespmem:s19], [sflag:$0x1] =	stream.indirect_vreg.gather [hbm4b:s7+s3], $0x80, v3, vm0, $0xb8;
	[tilespmem:$0x8100] =	vst v63  }
0x36: {  	v3 =	vld [tilespmem:$0x20];
	_ =	sdelay $0x4  }
0x37: {  	v58 =	vshll.u32 v3, $0x2  }
0x38: {  	v3 =	vand.u32 $0x7, v3;
	v4 =	vand.u32 $0xFFFFFFE0, v58  }
0x39: {  	v3 =	vor.u32 v3, v4  }
0x3a: {  	v4 =	vperm.xlane v3, v0;
	_ =	sdelay $0x1  }
0x3b: {  	v4 =	vadd.s32 v1, v4;
	_ =	sdelay $0x1  }
0x3c: {  	v3 =	vperm.xlane v3, v2;
	_ =	sdelay $0x1  }
0x3d: {  	v3 =	vadd.s32 v1, v3  }
0x3e: {  	[tilespmem:s20], [sflag:$0x1] =	stream.indirect_vreg.gather [hbm4b:s1+s3], $0x80, v4, vm0, $0xb8;
	[tilespmem:$0x8100] =	vst v63  }
0x3f: {  	_ = 	snop  }
0x40: {  	[tilespmem:s21], [sflag:$0x1] =	stream.indirect_vreg.gather [hbm4b:s7+s3], $0x80, v4, vm0, $0xb8;
	[tilespmem:$0x8100] =	vst v63  }
0x41: {  	_ = 	snop  }
0x42: {  	[tilespmem:s22], [sflag:$0x1] =	stream.indirect_vreg.gather [hbm4b:s1+s3], $0x80, v3, vm0, $0xb8;
	[tilespmem:$0x8100] =	vst v63  }
0x43: {  	_ = 	snop  }
0x44: {  	[tilespmem:s23], [sflag:$0x1] =	stream.indirect_vreg.gather [hbm4b:s7+s3], $0x80, v3, vm0, $0xb8;
	[tilespmem:$0x8100] =	vst v63  }
0x45: {  	v3 =	vld [tilespmem:$0x30];
	_ =	sdelay $0x4  }
0x46: {  	v59 =	vshll.u32 v3, $0x2  }
0x47: {  	v3 =	vand.u32 $0x7, v3;
	v4 =	vand.u32 $0xFFFFFFE0, v59  }
0x48: {  	v3 =	vor.u32 v3, v4  }
0x49: {  	v4 =	vperm.xlane v3, v0;
	_ =	sdelay $0x1  }
0x4a: {  	v4 =	vadd.s32 v1, v4;
	_ =	sdelay $0x1  }
0x4b: {  	v3 =	vperm.xlane v3, v2;
	_ =	sdelay $0x1  }
0x4c: {  	v3 =	vadd.s32 v1, v3  }
0x4d: {  	[tilespmem:s24], [sflag:$0x1] =	stream.indirect_vreg.gather [hbm4b:s1+s3], $0x80, v4, vm0, $0xb8;
	[tilespmem:$0x8100] =	vst v63  }
0x4e: {  	_ = 	snop  }
0x4f: {  	[tilespmem:s25], [sflag:$0x1] =	stream.indirect_vreg.gather [hbm4b:s7+s3], $0x80, v4, vm0, $0xb8;
	[tilespmem:$0x8100] =	vst v63  }
0x50: {  	_ = 	snop  }
0x51: {  	[tilespmem:s26], [sflag:$0x1] =	stream.indirect_vreg.gather [hbm4b:s1+s3], $0x80, v3, vm0, $0xb8;
	[tilespmem:$0x8100] =	vst v63  }
0x52: {  	_ = 	snop  }
0x53: {  	[tilespmem:s28], [sflag:$0x1] =	stream.indirect_vreg.gather [hbm4b:s7+s3], $0x80, v3, vm0, $0xb8;
	[tilespmem:$0x8100] =	vst v63  }
0x54: {  	_ =	swait.ge [sflag:s29], $0x8000  }
0x55: {  	[sflag:s29] =	ssyncset.done $0x0  }
0x56: {  	[sflag:s29] =	ssyncadd.s32 $0xFFFF8000  }
0x57: {  	v3 =	vld [tilespmem:$0x80];
	_ =	sdelay $0x4  }
0x58: {  	v60 =	vshll.u32 v3, $0x2  }
0x59: {  	v3 =	vand.u32 $0x7, v3;
	v4 =	vand.u32 $0xFFFFFFE0, v60  }
0x5a: {  	v3 =	vor.u32 v3, v4  }
0x5b: {  	v4 =	vperm.xlane v3, v0;
	_ =	sdelay $0x1  }
0x5c: {  	v4 =	vadd.s32 v1, v4;
	_ =	sdelay $0x1  }
0x5d: {  	v3 =	vperm.xlane v3, v2;
	_ =	sdelay $0x1  }
0x5e: {  	v3 =	vadd.s32 v1, v3  }
0x5f: {  	[hbm4b:s4+s3] =	stream.indirect_vreg.scatter [tilespmem:s12], [sflag:$0x2], $0x80, v4, vm0, $0xb8;
	[tilespmem:$0x8100] =	vst v63  }
0x60: {  	_ = 	snop  }
0x61: {  	[hbm4b:s8+s3] =	stream.indirect_vreg.scatter [tilespmem:s13], [sflag:$0x2], $0x80, v4, vm0, $0xb8;
	[tilespmem:$0x8100] =	vst v63  }
0x62: {  	_ = 	snop  }
0x63: {  	[hbm4b:s4+s3] =	stream.indirect_vreg.scatter [tilespmem:s14], [sflag:$0x2], $0x80, v3, vm0, $0xb8;
	[tilespmem:$0x8100] =	vst v63  }
0x64: {  	_ = 	snop  }
0x65: {  	[hbm4b:s8+s3] =	stream.indirect_vreg.scatter [tilespmem:s15], [sflag:$0x2], $0x80, v3, vm0, $0xb8;
	[tilespmem:$0x8100] =	vst v63  }
0x66: {  	v3 =	vld [tilespmem:$0x90];
	_ =	sdelay $0x4  }
0x67: {  	v61 =	vshll.u32 v3, $0x2  }
0x68: {  	v3 =	vand.u32 $0x7, v3;
	v4 =	vand.u32 $0xFFFFFFE0, v61  }
0x69: {  	v3 =	vor.u32 v3, v4  }
0x6a: {  	v4 =	vperm.xlane v3, v0;
	_ =	sdelay $0x1  }
0x6b: {  	v4 =	vadd.s32 v1, v4;
	_ =	sdelay $0x1  }
0x6c: {  	v3 =	vperm.xlane v3, v2;
	_ =	sdelay $0x1  }
0x6d: {  	v3 =	vadd.s32 v1, v3  }
0x6e: {  	[hbm4b:s4+s3] =	stream.indirect_vreg.scatter [tilespmem:s16], [sflag:$0x2], $0x80, v4, vm0, $0xb8;
	[tilespmem:$0x8100] =	vst v63  }
0x6f: {  	_ = 	snop  }
0x70: {  	[hbm4b:s8+s3] =	stream.indirect_vreg.scatter [tilespmem:s17], [sflag:$0x2], $0x80, v4, vm0, $0xb8;
	[tilespmem:$0x8100] =	vst v63  }
0x71: {  	_ = 	snop  }
0x72: {  	[hbm4b:s4+s3] =	stream.indirect_vreg.scatter [tilespmem:s18], [sflag:$0x2], $0x80, v3, vm0, $0xb8;
	[tilespmem:$0x8100] =	vst v63  }
0x73: {  	_ = 	snop  }
0x74: {  	[hbm4b:s8+s3] =	stream.indirect_vreg.scatter [tilespmem:s19], [sflag:$0x2], $0x80, v3, vm0, $0xb8;
	[tilespmem:$0x8100] =	vst v63  }
0x75: {  	v3 =	vld [tilespmem:$0xA0];
	_ =	sdelay $0x4  }
0x76: {  	v62 =	vshll.u32 v3, $0x2  }
0x77: {  	v3 =	vand.u32 $0x7, v3;
	v4 =	vand.u32 $0xFFFFFFE0, v62  }
0x78: {  	v3 =	vor.u32 v3, v4  }
0x79: {  	v4 =	vperm.xlane v3, v0;
	_ =	sdelay $0x1  }
0x7a: {  	v4 =	vadd.s32 v1, v4;
	_ =	sdelay $0x1  }
0x7b: {  	v3 =	vperm.xlane v3, v2;
	_ =	sdelay $0x1  }
0x7c: {  	v3 =	vadd.s32 v1, v3  }
0x7d: {  	[hbm4b:s4+s3] =	stream.indirect_vreg.scatter [tilespmem:s20], [sflag:$0x2], $0x80, v4, vm0, $0xb8;
	[tilespmem:$0x8100] =	vst v63  }
0x7e: {  	_ = 	snop  }
0x7f: {  	[hbm4b:s8+s3] =	stream.indirect_vreg.scatter [tilespmem:s21], [sflag:$0x2], $0x80, v4, vm0, $0xb8;
	[tilespmem:$0x8100] =	vst v63  }
0x80: {  	_ = 	snop  }
0x81: {  	[hbm4b:s4+s3] =	stream.indirect_vreg.scatter [tilespmem:s22], [sflag:$0x2], $0x80, v3, vm0, $0xb8;
	[tilespmem:$0x8100] =	vst v63  }
0x82: {  	_ = 	snop  }
0x83: {  	[hbm4b:s8+s3] =	stream.indirect_vreg.scatter [tilespmem:s23], [sflag:$0x2], $0x80, v3, vm0, $0xb8;
	[tilespmem:$0x8100] =	vst v63  }
0x84: {  	v3 =	vld [tilespmem:$0xB0];
	_ =	sdelay $0x4  }
0x85: {  	v63 =	vshll.u32 v3, $0x2  }
0x86: {  	v3 =	vand.u32 $0x7, v3;
	v4 =	vand.u32 $0xFFFFFFE0, v63  }
0x87: {  	v3 =	vor.u32 v3, v4  }
0x88: {  	v4 =	vperm.xlane v3, v0;
	_ =	sdelay $0x1  }
0x89: {  	v4 =	vadd.s32 v1, v4;
	_ =	sdelay $0x1  }
0x8a: {  	v3 =	vperm.xlane v3, v2;
	_ =	sdelay $0x1  }
0x8b: {  	v3 =	vadd.s32 v1, v3  }
0x8c: {  	[hbm4b:s4+s3] =	stream.indirect_vreg.scatter [tilespmem:s24], [sflag:$0x2], $0x80, v4, vm0, $0xb8;
	[tilespmem:$0x8100] =	vst v63  }
0x8d: {  	_ = 	snop  }
0x8e: {  	[hbm4b:s8+s3] =	stream.indirect_vreg.scatter [tilespmem:s25], [sflag:$0x2], $0x80, v4, vm0, $0xb8;
	[tilespmem:$0x8100] =	vst v63  }
0x8f: {  	p0 =	sne.s32 s9, $0x1  }
0x90: {  	[hbm4b:s4+s3] =	stream.indirect_vreg.scatter [tilespmem:s26], [sflag:$0x2], $0x80, v3, vm0, $0xb8;
	[tilespmem:$0x8100] =	vst v63  }
.Ltmp0:
0x91: {  	_ = 	snop;
	(pc) =	sbr.rel @p0 .LBB2_1-.Ltmp0, $4  }
0x92: {  	[hbm4b:s8+s3] =	stream.indirect_vreg.scatter [tilespmem:s28], [sflag:$0x2], $0x80, v3, vm0, $0xb8;
	[tilespmem:$0x8100] =	vst v63  }
0x93: {  	_ =	swait.ge [sflag:s30], $0x8000  }
0x94: {  	[sflag:s30] =	ssyncset.done $0x0  }
0x95: {  	s9 =	sadd.s32 $0xFFFFFFFF, s9;
	[sflag:s30] =	ssyncadd.s32 $0xFFFF8000  }
0x96: {  	_ =	sfence.sel $0x180000  }
0x97: {  	[bflag:$0x0] =	sbarrier.arrive $0xFFFF  }
0x98: {  	p0 =	sne.s32 s2, $0x0;
	_ =	strace $0x9000004A  }
0x99: {  	s0 =	sadd.s32 @!p0 $0x100000, s0;
	[bflag:$0x2] =	sbarrier.arrive $0xFFFF  }
0x9a: {  	[sflag:s0] =	ssyncadd.tile.s32 @!p0 $0x1;
	_ =	shalt  }
.Lfunc_end2:
_tile_overlayer_lowered:
.L_overlay_start_2:
0x9b: {  	(tag) =	ssettag $0x2  }
0x9c: {  	s0 =	rddreg [dreg:$0x0];
	s2 =	stileid.u32  }
0x9d: {  	s1 =	rddreg [dreg:$0x1];
	p0 =	sne.s32 s2, $0x0  }
0x9e: {  	s3 =	rddreg [dreg:$0x2];
	[bflag:$0x3] =	sbarrier.arrive $0xFFFF;
	s2 =	simm.s32 @!p0 $0x1C03  }
0x9f: {  	[timem:s3], [sflag:s2] =	dma.local @!p0 [hbm:s0], s1  }
0xa0: {  	s0 =	simm.s32 @!p0 $0x3  }
0xa1: {  	_ =	swait.ge @!p0 [sflag:s0], s1  }
0xa2: {  	s1 =	ssub.s32 @!p0 $0x0, s1;
	[sflag:s0] =	ssyncset.done @!p0 $0x0  }
0xa3: {  	[sflag:s0] =	ssyncadd.s32 @!p0 s1  }
0xa4: {  	[bflag:$0x3] =	sbarrier.arrive $0xFFFF  }
0xa5: {  	_ =	shalt  }

// kernel: kernel.13.cloned.1.call-start
scs
__scs_entry_jumppad:
0x0: {  	(pc) =	sbr.rel $0x88, $3  }
0x1: {  	(tag) =	ssettag $0x0;
	lr =	simm.s32 $0x1  }
0x2: {  	[smem:$0x3F9A] =	sst lr;
	_ =	strace $0xD0000000  }
0x3: {  	_ = 	snop  }
0x4: {  	_ = 	snop  }
0x5: {  	_ = 	snop  }
0x6: {  	_ = 	snop  }
0x7: {  	_ = 	snop  }
__scs_overlays_trampoline_lowered:
0x8: {  	[smem:$0x3FA9] =	sst s0  }
0x9: {  	[smem:$0x3FAA] =	sst s1  }
0xa: {  	[smem:$0x3FAB] =	sst s2  }
0xb: {  	[smem:$0x3FAC] =	sst s3  }
0xc: {  	[smem:$0x3FAD] =	sst s4  }
0xd: {  	[smem:$0x3FAE] =	sst s5  }
0xe: {  	[smem:$0x3FAF] =	sst s6  }
0xf: {  	[smem:$0x3FB0] =	sst s7  }
0x10: {  	[smem:$0x3FB1] =	sst s8  }
0x11: {  	[smem:$0x3FB2] =	sst s9;
	s0 =	simm.s32 @!p0 $0x0  }
0x12: {  	s1 =	sld [smem:$0x3F98];
	s0 =	simm.s32 @p0 $0x1  }
0x13: {  	[smem:$0x3FB3] =	sst s0;
	s0 =	simm.s32 @!p1 $0x0  }
0x14: {  	s2 =	sld [smem:$0x3F97];
	s0 =	simm.s32 @p1 $0x1  }
0x15: {  	[smem:$0x3FB4] =	sst s0;
	s0 =	simm.s32 @!p2 $0x0  }
0x16: {  	s3 =	sld [smem:$0x3FDB];
	s0 =	simm.s32 @p2 $0x1  }
0x17: {  	s4 =	simm.s32 $0x1BF5;
	[smem:$0x3FB6] =	sst s0  }
0x18: {  	s0 =	sld [smem:$0x3F99];
	_ =	swait.ge [sflag:s4], $0x0  }
0x19: {  	s7 =	sld [smem:$0x3F9A]  }
0x1a: {  	s8 =	sadd.s32 $0xFFFFE003, lr  }
0x1b: {  	s9 =	sadd.s32 $0xFFFFFEF7, lr;
	s5 =	simm.s32 $0xFFFFFFFF;
	p2 =	slt.u32 s8, $0xFFFFF086  }
0x1c: {  	p1 =	slt.u32 s9, $0xF7A;
	s5 =	simm.s32 @!p2 $0x0  }
0x1d: {  	s5 =	simm.s32 @p1 $0x1;
	p0 =	seq.s32 s7, s2  }
0x1e: {  	s7 =	smul.u32 @!p0 $0xF7A, s2;
	p2 =	seq.s32 @!p0 s5, $0x0  }
0x1f: {  	s9 =	smul.u32 $0xF7A, s1;
	s8 =	simm.s32 @!p0 $0x1BF5;
	p2 =	por !p2, p0  }
0x20: {  	[sflag:s8] =	ssyncset.s32 @!p0 $0xFFFFF086;
	s6 =	sadd.s32 @!p0 s3, s7;
	s7 =	simm.s32 @!p0 $0x108  }
0x21: {  	s3 =	sadd.s32 s3, s9;
	s6 =	sadd.s32 @!p0 $0x88, s6;
	s7 =	simm.s32 @p2 $0x1082  }
0x22: {  	[simem:s7], [sflag:s8] =	dma.local @!p0 [hbm:s6], $0xF7A  }
0x23: {  	s9 =	sor.u32 $0xD0000000, s2;
	s6 =	simm.s32 $0x108;
	_ =	swait.ge @!p0 [sflag:s8], $0x0  }
0x24: {  	s3 =	sadd.s32 $0x88, s3;
	s6 =	simm.s32 @!p1 $0x1082;
	[sflag:s4] =	ssyncset.s32 $0xFFFFF086  }
0x25: {  	[simem:s6], [sflag:s4] =	dma.local [hbm:s3], $0xF7A  }
0x26: {  	[smem:$0x3F9A] =	sst s1;
	(tag) =	ssettag s2;
	_ =	strace s9  }
0x27: {  	s1 =	sld [smem:$0x3FAA]  }
0x28: {  	s2 =	sld [smem:$0x3FAB]  }
0x29: {  	s4 =	sld [smem:$0x3FAD]  }
0x2a: {  	p0 =	seq.s32 s5, $0x0;
	s5 =	sld [smem:$0x3FAE]  }
0x2b: {  	s6 =	sld [smem:$0x3FAF]  }
0x2c: {  	s7 =	sld [smem:$0x3FB0]  }
0x2d: {  	s3 =	simm.s32 $0x108;
	s8 =	sld [smem:$0x3FB1]  }
0x2e: {  	s3 =	simm.s32 @!p0 $0x1082;
	s9 =	sld [smem:$0x3FB2]  }
0x2f: {  	lr =	sadd.s32 s0, s3;
	s0 =	sld [smem:$0x3FA9]  }
0x30: {  	s3 =	sld [smem:$0x3FAC]  }
0x31: {  	[smem:$0x3FB5] =	sst s10  }
0x32: {  	s10 =	sld [smem:$0x3FB3];
	_ =	sdelay $0x3  }
0x33: {  	p0 =	seq.s32 s10, $0x1;
	s10 =	sld [smem:$0x3FB5];
	_ =	sdelay $0x3  }
0x34: {  	[smem:$0x3FB5] =	sst s10  }
0x35: {  	s10 =	sld [smem:$0x3FB4];
	_ =	sdelay $0x3  }
0x36: {  	p1 =	seq.s32 s10, $0x1;
	s10 =	sld [smem:$0x3FB5];
	_ =	sdelay $0x3  }
0x37: {  	[smem:$0x3FB5] =	sst s10  }
0x38: {  	s10 =	sld [smem:$0x3FB6]  }
0x39: {  	_ = 	snop;
	(pc) =	sbr.ind lr, $3  }
0x3a: {  	_ = 	snop  }
0x3b: {  	_ = 	snop  }
0x3c: {  	p2 =	seq.s32 s10, $0x1;
	s10 =	sld [smem:$0x3FB5]  }
0x3d: {  	_ =	shalt  }
0x3e: {  	_ =	shalt  }
0x3f: {  	_ =	shalt  }
0x40: {  	_ =	shalt  }
0x41: {  	_ =	shalt  }
0x42: {  	_ =	shalt  }
0x43: {  	_ =	shalt  }
0x44: {  	_ =	shalt  }
0x45: {  	_ =	shalt  }
0x46: {  	_ =	shalt  }
0x47: {  	_ =	shalt  }
0x48: {  	_ =	shalt  }
0x49: {  	_ =	shalt  }
0x4a: {  	_ =	shalt  }
0x4b: {  	_ =	shalt  }
0x4c: {  	_ =	shalt  }
0x4d: {  	_ =	shalt  }
0x4e: {  	_ =	shalt  }
0x4f: {  	_ =	shalt  }
0x50: {  	_ =	shalt  }
0x51: {  	_ =	shalt  }
0x52: {  	_ =	shalt  }
0x53: {  	_ =	shalt  }
0x54: {  	_ =	shalt  }
0x55: {  	_ =	shalt  }
0x56: {  	_ =	shalt  }
0x57: {  	_ =	shalt  }
0x58: {  	_ =	shalt  }
0x59: {  	_ =	shalt  }
0x5a: {  	_ =	shalt  }
0x5b: {  	_ =	shalt  }
0x5c: {  	_ =	shalt  }
0x5d: {  	_ =	shalt  }
0x5e: {  	_ =	shalt  }
0x5f: {  	_ =	shalt  }
0x60: {  	_ =	shalt  }
0x61: {  	_ =	shalt  }
0x62: {  	_ =	shalt  }
0x63: {  	_ =	shalt  }
0x64: {  	_ =	shalt  }
0x65: {  	_ =	shalt  }
0x66: {  	_ =	shalt  }
0x67: {  	_ =	shalt  }
0x68: {  	_ =	shalt  }
0x69: {  	_ =	shalt  }
0x6a: {  	_ =	shalt  }
0x6b: {  	_ =	shalt  }
0x6c: {  	_ =	shalt  }
0x6d: {  	_ =	shalt  }
0x6e: {  	_ =	shalt  }
0x6f: {  	_ =	shalt  }
0x70: {  	_ =	shalt  }
0x71: {  	_ =	shalt  }
0x72: {  	_ =	shalt  }
0x73: {  	_ =	shalt  }
0x74: {  	_ =	shalt  }
0x75: {  	_ =	shalt  }
0x76: {  	_ =	shalt  }
0x77: {  	_ =	shalt  }
0x78: {  	_ =	shalt  }
0x79: {  	_ =	shalt  }
0x7a: {  	_ =	shalt  }
0x7b: {  	_ =	shalt  }
0x7c: {  	_ =	shalt  }
0x7d: {  	_ =	shalt  }
0x7e: {  	_ =	shalt  }
0x7f: {  	_ =	shalt  }
0x80: {  	_ =	shalt  }
0x81: {  	_ =	shalt  }
0x82: {  	_ =	shalt  }
0x83: {  	_ =	shalt  }
0x84: {  	_ =	shalt  }
0x85: {  	_ =	shalt  }
0x86: {  	_ =	shalt  }
0x87: {  	_ =	shalt  }
.Lfunc_end0:
.L_simem_size_0:
called_computation.2_lowered:
.L_overlay_start_0:
0x88: {  	s2 =	sld [smem:$0x3FD9]  }
0x89: {  	s3 =	sld [smem:$0x3FFE];
	_ =	sdelay $0x1  }
0x8a: {  	s1 =	srdreg.scid  }
0x8b: {  	s0 =	sand.u32 $0x1, s1  }
0x8c: {  	s17 =	sshll.u32 s0, $0xA;
	s2 =	sadd.s32 s3, s2  }
0x8d: {  	s2 =	sadd.s32 s2, s17  }
0x8e: {  	[smem:$0x3FC1] =	sst s2  }
0x8f: {  	_ = 	snop  }
0x90: {  	s2 =	sld [smem:$0x3FD0];
	(tm) =	ssettm $0x1  }
0x91: {  	s18 =	sld [smem:$0x3FFB];
	_ =	sdelay $0x3  }
0x92: {  	_ =	strace s18  }
0x93: {  	s3 =	sld [smem:$0x3FFC];
	_ =	sdelay $0x3  }
0x94: {  	_ =	strace s3  }
0x95: {  	s3 =	sld [smem:$0x3FFD];
	_ =	sdelay $0x3  }
0x96: {  	_ =	strace s3  }
0x97: {  	_ =	strace $0x8FFFFFFF  }
0x98: {  	s19 =	sld [smem:$0x3FDB];
	_ =	sdelay $0x1  }
0x99: {  	s4 =	simm.s32 $_scs_section_size  }
0x9a: {  	s5 =	simm.s32 $_size__tile_overlayer_lowered;
	s6 =	simm.s32 $_tile_overlayer_lowered  }
0x9b: {  	s22 =	simm.s32 $0x1BFF;
	s21 =	sshll.u32 s6, $0x1;
	s3 =	sadd.s32 s4, s19  }
0x9c: {  	s7 =	simm.s32 $0x0;
	s20 =	sshll.u32 s5, $0x1;
	s5 =	sadd.s32 s21, s3  }
0x9d: {  	[timem:s7], [sflag:s22] =	dma.local [hbm:s5], s20  }
0x9e: {  	_ =	swait.ge [sflag:s22], s20  }
0x9f: {  	s4 =	ssub.s32 $0x0, s20;
	[sflag:s22] =	ssyncset.done $0x0  }
0xa0: {  	[sflag:s22] =	ssyncadd.s32 s4;
	_ =	sdelay $0x1  }
0xa1: {  	s23 =	simm.s32 $0x1B8B  }
0xa2: {  	_ =	swait.ge [sflag:s23], $0x1  }
0xa3: {  	[sflag:s23] =	ssyncset.done $0x0  }
0xa4: {  	s25 =	simm.s32 $0x1B8E;
	s24 =	sld [smem:$0x3FFE];
	[sflag:s23] =	ssyncadd.s32 $0xFFFFFFFF  }
0xa5: {  	s26 =	simm.s32 $execute0_lowered;
	[smem:$0x3FD2] =	sst s25  }
0xa6: {  	s5 =	sshll.u32 s26, $0x1;
	_ =	strace $0x8000004C;
	[dreg:$0x1] =	wrdreg $0xFFFFFFFF  }
0xa7: {  	s28 =	simm.s32 $_size_execute0_lowered;
	s3 =	sadd.s32 s3, s5;
	[dreg:$0x0] =	wrdreg $0x0  }
0xa8: {  	s5 =	sshll.u32 s28, $0x1;
	[dreg:$0x2] =	wrdreg s3  }
0xa9: {  	[dreg:$0x3] =	wrdreg s5  }
0xaa: {  	[dreg:$0x4] =	wrdreg $0xC0  }
0xab: {  	_ =	task [dreg:s7], $0x5FFFF  }
0xac: {  	[dreg:$0x1] =	wrdreg $0xFFFFFFFF  }
0xad: {  	[dreg:$0x0] =	wrdreg $0x60  }
0xae: {  	[dreg:$0x2] =	wrdreg s24  }
0xaf: {  	[dreg:$0x3] =	wrdreg s2  }
0xb0: {  	[dreg:$0x4] =	wrdreg $0x9  }
0xb1: {  	_ =	task.clear_ibuf [dreg:s7], $0x5FFFF;
	_ =	strace $0x9000004C  }
0xb2: {  	s29 =	simm.s32 $0x9;
	_ =	strace $0x8000004E  }
0xb3: {  	_ =	swait.ge [sflag:s29], $0x1  }
0xb4: {  	[sflag:s29] =	ssyncadd.s32 $0xFFFFFFFF  }
0xb5: {  	_ =	strace $0x9000004E  }
0xb6: {  	_ =	sfence  }
0xb7: {  	s30 =	sld [smem:$0x0];
	_ =	sdelay $0x2  }
0xb8: {  	s31 =	sshll.u32 s1, $0xD;
	s1 =	sshrl.u32 s1, $0x2  }
0xb9: {  	s3 =	sand.u32 $0x4000, s31;
	s1 =	sadd.s32 s1, s30  }
0xba: {  	s0 =	sor.u32 s3, s0;
	s1 =	sshll.u32 s1, $0x11  }
0xbb: {  	s0 =	sor.u32 s1, s0  }
0xbc: {  	s0 =	sadd.s32 $0x8F2B, s0  }
0xbd: {  	[sflag:s0] =	ssyncadd.remote.s32 $0x1  }
0xbe: {  	_ =	sfence.sel $0xFFFF  }
0xbf: {  	[dreg:$0x0] =	wrdreg $0xFFFFFFFF;
	(pc) =	sbr.abs _section_cstart, $3  }
0xc0: {  	[dreg:$0x1] =	wrdreg $0xFFFFFFFF  }
0xc1: {  	_ =	task.clear_ibuf [dreg:s7], $0x2FFFF;
	_ =	strace $0x9FFFFFFF  }
0xc2: {  	(tm) =	ssettm $0x7FFFFFFF  }
0xc3: {  	_ =	shalt  }
tec
execute0_lowered:
.L_overlay_start_1:
0x0: {  	(tag) =	ssettag $0x1  }
0x1: {  	s1 =	srdreg.scid  }
0x2: {  	s0 =	stileid.u32;
	s6 =	rddreg [dreg:$0x0]  }
0x3: {  	s4 =	rddreg [dreg:$0x1];
	s18 =	simm.s32 $0x880;
	s19 =	simm.s32 $0x1080  }
0x4: {  	s20 =	simm.s32 $0x1880;
	s22 =	simm.s32 $0x2080;
	s23 =	simm.s32 $0x2880  }
0x5: {  	s7 =	simm.s32 $0x3080;
	s24 =	simm.s32 $0x3880;
	s8 =	simm.s32 $0x4080  }
0x6: {  	s25 =	simm.s32 $0x4880;
	s26 =	simm.s32 $0x5080;
	s1 =	sand.u32 $0x1, s1  }
0x7: {  	s9 =	simm.s32 $0x80;
	s2 =	sshll.u32 s0, $0x7;
	s3 =	sshll.u32 s1, $0x6  }
0x8: {  	s11 =	simm.s32 $0x6080;
	s3 =	sor.u32 s3, s2;
	s2 =	simm.s32 $0x0  }
0x9: {  	s12 =	simm.s32 $0x6880;
	s13 =	simm.s32 $0x7080;
	[smem:$0x7FF] =	sst s2  }
0xa: {  	s14 =	simm.s32 $0x7880;
	_ =	strace $0x8000004D;
	[dreg:$0x5] =	wrdreg s18  }
0xb: {  	s15 =	simm.s32 $0x8080;
	s16 =	simm.s32 $0x8880;
	[dreg:$0x6] =	wrdreg s19  }
0xc: {  	s17 =	simm.s32 $0x9080;
	s28 =	simm.s32 $0xE080;
	[dreg:$0x7] =	wrdreg s20  }
0xd: {  	s29 =	simm.s32 $0xE880;
	s30 =	simm.s32 $0xF080;
	[dreg:$0x8] =	wrdreg s22  }
0xe: {  	s31 =	simm.s32 $0xF880;
	s1 =	ssub.s32 $0x2, s1;
	[dreg:$0x9] =	wrdreg s23  }
0xf: {  	s21 =	sshrl.u32 s1, $0x1;
	s5 =	sshrl.u32 s3, $0x3;
	[dreg:$0xa] =	wrdreg s7  }
0x10: {  	s3 =	sshll.u32 s3, $0x7;
	s1 =	ssub.s32 s1, s21;
	[dreg:$0xb] =	wrdreg s24  }
0x11: {  	s21 =	simm.s32 $0xB080;
	s5 =	sadd.s32 s5, s6;
	[dreg:$0xc] =	wrdreg s8  }
0x12: {  	s3 =	sadd.s32 s4, s3;
	s4 =	sadd.s32 $0x500, s6;
	[dreg:$0xd] =	wrdreg s25  }
0x13: {  	s7 =	smax.u32 s1, $0x1;
	s8 =	simm.s32 $0x2;
	[dreg:$0xe] =	wrdreg s26  }
0x14: {  	s18 =	simm.s32 $0x9880;
	s19 =	simm.s32 $0xA080;
	s20 =	simm.s32 $0xA880  }
0x15: {  	s22 =	simm.s32 $0xB880;
	s23 =	simm.s32 $0xC080;
	s24 =	simm.s32 $0xC880  }
0x16: {  	v2 =	vlaneseq.u32;
	s25 =	simm.s32 $0xD080;
	s26 =	simm.s32 $0xD880;
	s1 =	simm.s32 $0x1  }
0x17: {  	vm0 =	vmmov $0xffff;
	v1 =	vshrl.u32 v2, $0x3;
	s5 =	sadd.s32 $0x200, s5;
	[dreg:$0x4] =	wrdreg s3;
	s3 =	sadd.s32 $0x400, s6  }
0x18: {  	v0 =	vand.u32 $0x7, v2;
	v2 =	vor.u32 $0x8, v2;
	v1 =	vmul.u32 $0x8, v1;
	[dreg:$0x3] =	wrdreg s5;
	s5 =	sadd.s32 $0x600, s6;
	s6 =	sadd.s32 $0x700, s6  }
.LBB2_1:
0x19: {  	s0 =	rddreg [dreg:$0x3]  }
0x1a: {  	[tilespmem:s2], [sflag:$0x2] =	stream.linear.gather [hbm4b:s0+s2], $0x40, $0x38;
	[tilespmem:$0x10080] =	vst v63  }
0x1b: {  	_ =	swait.ge [sflag:s8], $0x40  }
0x1c: {  	[sflag:s8] =	ssyncset.done $0x0  }
0x1d: {  	[sflag:s8] =	ssyncadd.s32 $0xFFFFFFC0  }
0x1e: {  	v3 =	vld [tilespmem:$0x0];
	_ =	sdelay $0x4  }
0x1f: {  	v4 =	vshll.u32 v3, $0x3  }
0x20: {  	v3 =	vand.u32 $0x7, v3;
	v4 =	vand.u32 $0xFFFFFFC0, v4  }
0x21: {  	v3 =	vor.u32 v3, v4  }
0x22: {  	v4 =	vperm.xlane v3, v0;
	_ =	sdelay $0x1  }
0x23: {  	v4 =	vadd.s32 v1, v4;
	_ =	sdelay $0x4  }
0x24: {  	[tilespmem:s9], [sflag:$0x1] =	stream.indirect_vreg.gather [hbm4b:s3+s2], $0x80, v4, vm0, $0xb8;
	[tilespmem:$0x10080] =	vst v63  }
0x25: {  	s0 =	rddreg [dreg:$0x5];
	v3 =	vperm.xlane v3, v2  }
0x26: {  	[tilespmem:s0], [sflag:$0x1] =	stream.indirect_vreg.gather [hbm4b:s4+s2], $0x80, v4, vm0, $0xb8;
	[tilespmem:$0x10080] =	vst v63  }
0x27: {  	s10 =	rddreg [dreg:$0x6];
	v3 =	vadd.s32 v1, v3  }
0x28: {  	[tilespmem:s10], [sflag:$0x1] =	stream.indirect_vreg.gather [hbm4b:s5+s2], $0x80, v4, vm0, $0xb8;
	[tilespmem:$0x10080] =	vst v63  }
0x29: {  	s0 =	rddreg [dreg:$0x7]  }
0x2a: {  	[tilespmem:s0], [sflag:$0x1] =	stream.indirect_vreg.gather [hbm4b:s6+s2], $0x80, v4, vm0, $0xb8;
	[tilespmem:$0x10080] =	vst v63  }
0x2b: {  	s10 =	rddreg [dreg:$0x8]  }
0x2c: {  	[tilespmem:s10], [sflag:$0x1] =	stream.indirect_vreg.gather [hbm4b:s3+s2], $0x80, v3, vm0, $0xb8;
	[tilespmem:$0x10080] =	vst v63  }
0x2d: {  	s0 =	rddreg [dreg:$0x9]  }
0x2e: {  	[tilespmem:s0], [sflag:$0x1] =	stream.indirect_vreg.gather [hbm4b:s4+s2], $0x80, v3, vm0, $0xb8;
	[tilespmem:$0x10080] =	vst v63  }
0x2f: {  	s10 =	rddreg [dreg:$0xa]  }
0x30: {  	[tilespmem:s10], [sflag:$0x1] =	stream.indirect_vreg.gather [hbm4b:s5+s2], $0x80, v3, vm0, $0xb8;
	[tilespmem:$0x10080] =	vst v63  }
0x31: {  	s0 =	rddreg [dreg:$0xb]  }
0x32: {  	[tilespmem:s0], [sflag:$0x1] =	stream.indirect_vreg.gather [hbm4b:s6+s2], $0x80, v3, vm0, $0xb8;
	[tilespmem:$0x10080] =	vst v63  }
0x33: {  	v3 =	vld [tilespmem:$0x10];
	_ =	sdelay $0x4  }
0x34: {  	v61 =	vshll.u32 v3, $0x3  }
0x35: {  	v3 =	vand.u32 $0x7, v3;
	v4 =	vand.u32 $0xFFFFFFC0, v61  }
0x36: {  	v3 =	vor.u32 v3, v4  }
0x37: {  	v4 =	vperm.xlane v3, v0;
	_ =	sdelay $0x1  }
0x38: {  	v4 =	vadd.s32 v1, v4;
	_ =	sdelay $0x3  }
0x39: {  	s0 =	rddreg [dreg:$0xc]  }
0x3a: {  	[tilespmem:s0], [sflag:$0x1] =	stream.indirect_vreg.gather [hbm4b:s3+s2], $0x80, v4, vm0, $0xb8;
	[tilespmem:$0x10080] =	vst v63  }
0x3b: {  	s10 =	rddreg [dreg:$0xd];
	v3 =	vperm.xlane v3, v2  }
0x3c: {  	[tilespmem:s10], [sflag:$0x1] =	stream.indirect_vreg.gather [hbm4b:s4+s2], $0x80, v4, vm0, $0xb8;
	[tilespmem:$0x10080] =	vst v63  }
0x3d: {  	v3 =	vadd.s32 v1, v3;
	s0 =	rddreg [dreg:$0xe]  }
0x3e: {  	[tilespmem:s0], [sflag:$0x1] =	stream.indirect_vreg.gather [hbm4b:s5+s2], $0x80, v4, vm0, $0xb8;
	[tilespmem:$0x10080] =	vst v63  }
0x3f: {  	s10 =	simm.s32 $0x5880  }
0x40: {  	[tilespmem:s10], [sflag:$0x1] =	stream.indirect_vreg.gather [hbm4b:s6+s2], $0x80, v4, vm0, $0xb8;
	[tilespmem:$0x10080] =	vst v63  }
0x41: {  	_ = 	snop  }
0x42: {  	[tilespmem:s11], [sflag:$0x1] =	stream.indirect_vreg.gather [hbm4b:s3+s2], $0x80, v3, vm0, $0xb8;
	[tilespmem:$0x10080] =	vst v63  }
0x43: {  	_ = 	snop  }
0x44: {  	[tilespmem:s12], [sflag:$0x1] =	stream.indirect_vreg.gather [hbm4b:s4+s2], $0x80, v3, vm0, $0xb8;
	[tilespmem:$0x10080] =	vst v63  }
0x45: {  	_ = 	snop  }
0x46: {  	[tilespmem:s13], [sflag:$0x1] =	stream.indirect_vreg.gather [hbm4b:s5+s2], $0x80, v3, vm0, $0xb8;
	[tilespmem:$0x10080] =	vst v63  }
0x47: {  	_ = 	snop  }
0x48: {  	[tilespmem:s14], [sflag:$0x1] =	stream.indirect_vreg.gather [hbm4b:s6+s2], $0x80, v3, vm0, $0xb8;
	[tilespmem:$0x10080] =	vst v63  }
0x49: {  	v3 =	vld [tilespmem:$0x20];
	_ =	sdelay $0x4  }
0x4a: {  	v62 =	vshll.u32 v3, $0x3  }
0x4b: {  	v3 =	vand.u32 $0x7, v3;
	v4 =	vand.u32 $0xFFFFFFC0, v62  }
0x4c: {  	v3 =	vor.u32 v3, v4  }
0x4d: {  	v4 =	vperm.xlane v3, v0;
	_ =	sdelay $0x1  }
0x4e: {  	v4 =	vadd.s32 v1, v4;
	_ =	sdelay $0x4  }
0x4f: {  	[tilespmem:s15], [sflag:$0x1] =	stream.indirect_vreg.gather [hbm4b:s3+s2], $0x80, v4, vm0, $0xb8;
	[tilespmem:$0x10080] =	vst v63  }
0x50: {  	v3 =	vperm.xlane v3, v2  }
0x51: {  	[tilespmem:s16], [sflag:$0x1] =	stream.indirect_vreg.gather [hbm4b:s4+s2], $0x80, v4, vm0, $0xb8;
	[tilespmem:$0x10080] =	vst v63  }
0x52: {  	v3 =	vadd.s32 v1, v3  }
0x53: {  	[tilespmem:s17], [sflag:$0x1] =	stream.indirect_vreg.gather [hbm4b:s5+s2], $0x80, v4, vm0, $0xb8;
	[tilespmem:$0x10080] =	vst v63  }
0x54: {  	_ = 	snop  }
0x55: {  	[tilespmem:s18], [sflag:$0x1] =	stream.indirect_vreg.gather [hbm4b:s6+s2], $0x80, v4, vm0, $0xb8;
	[tilespmem:$0x10080] =	vst v63  }
0x56: {  	_ = 	snop  }
0x57: {  	[tilespmem:s19], [sflag:$0x1] =	stream.indirect_vreg.gather [hbm4b:s3+s2], $0x80, v3, vm0, $0xb8;
	[tilespmem:$0x10080] =	vst v63  }
0x58: {  	_ = 	snop  }
0x59: {  	[tilespmem:s20], [sflag:$0x1] =	stream.indirect_vreg.gather [hbm4b:s4+s2], $0x80, v3, vm0, $0xb8;
	[tilespmem:$0x10080] =	vst v63  }
0x5a: {  	_ = 	snop  }
0x5b: {  	[tilespmem:s21], [sflag:$0x1] =	stream.indirect_vreg.gather [hbm4b:s5+s2], $0x80, v3, vm0, $0xb8;
	[tilespmem:$0x10080] =	vst v63  }
0x5c: {  	_ = 	snop  }
0x5d: {  	[tilespmem:s22], [sflag:$0x1] =	stream.indirect_vreg.gather [hbm4b:s6+s2], $0x80, v3, vm0, $0xb8;
	[tilespmem:$0x10080] =	vst v63  }
0x5e: {  	v3 =	vld [tilespmem:$0x30];
	_ =	sdelay $0x4  }
0x5f: {  	v63 =	vshll.u32 v3, $0x3  }
0x60: {  	v3 =	vand.u32 $0x7, v3;
	v4 =	vand.u32 $0xFFFFFFC0, v63  }
0x61: {  	v3 =	vor.u32 v3, v4  }
0x62: {  	v4 =	vperm.xlane v3, v0;
	_ =	sdelay $0x1  }
0x63: {  	v4 =	vadd.s32 v1, v4;
	_ =	sdelay $0x4  }
0x64: {  	[tilespmem:s23], [sflag:$0x1] =	stream.indirect_vreg.gather [hbm4b:s3+s2], $0x80, v4, vm0, $0xb8;
	[tilespmem:$0x10080] =	vst v63  }
0x65: {  	v3 =	vperm.xlane v3, v2  }
0x66: {  	[tilespmem:s24], [sflag:$0x1] =	stream.indirect_vreg.gather [hbm4b:s4+s2], $0x80, v4, vm0, $0xb8;
	[tilespmem:$0x10080] =	vst v63  }
0x67: {  	v3 =	vadd.s32 v1, v3  }
0x68: {  	[tilespmem:s25], [sflag:$0x1] =	stream.indirect_vreg.gather [hbm4b:s5+s2], $0x80, v4, vm0, $0xb8;
	[tilespmem:$0x10080] =	vst v63  }
0x69: {  	_ = 	snop  }
0x6a: {  	[tilespmem:s26], [sflag:$0x1] =	stream.indirect_vreg.gather [hbm4b:s6+s2], $0x80, v4, vm0, $0xb8;
	[tilespmem:$0x10080] =	vst v63  }
0x6b: {  	_ = 	snop  }
0x6c: {  	[tilespmem:s28], [sflag:$0x1] =	stream.indirect_vreg.gather [hbm4b:s3+s2], $0x80, v3, vm0, $0xb8;
	[tilespmem:$0x10080] =	vst v63  }
0x6d: {  	_ = 	snop  }
0x6e: {  	[tilespmem:s29], [sflag:$0x1] =	stream.indirect_vreg.gather [hbm4b:s4+s2], $0x80, v3, vm0, $0xb8;
	[tilespmem:$0x10080] =	vst v63  }
0x6f: {  	_ = 	snop  }
0x70: {  	[tilespmem:s30], [sflag:$0x1] =	stream.indirect_vreg.gather [hbm4b:s5+s2], $0x80, v3, vm0, $0xb8;
	[tilespmem:$0x10080] =	vst v63  }
0x71: {  	_ = 	snop  }
0x72: {  	[tilespmem:s31], [sflag:$0x1] =	stream.indirect_vreg.gather [hbm4b:s6+s2], $0x80, v3, vm0, $0xb8;
	[tilespmem:$0x10080] =	vst v63  }
0x73: {  	_ =	swait.ge [sflag:s1], $0x10000  }
0x74: {  	p0 =	sne.s32 s7, $0x1;
	[sflag:s1] =	ssyncset.done $0x0  }
.Ltmp0:
0x75: {  	s10 =	rddreg [dreg:$0x4];
	[sflag:s1] =	ssyncadd.s32 $0xFFFF0000;
	(pc) =	sbr.rel @p0 .LBB2_1-.Ltmp0, $4  }
0x76: {  	[hbm4b:s10+s2] =	stream.linear.scatter [tilespmem:s9], [sflag:$0x2], $0x10000, $0x38;
	[tilespmem:$0x10080] =	vst v63  }
0x77: {  	_ =	swait.ge [sflag:s8], $0x10000  }
0x78: {  	[sflag:s8] =	ssyncset.done $0x0  }
0x79: {  	s7 =	sadd.s32 $0xFFFFFFFF, s7;
	[sflag:s8] =	ssyncadd.s32 $0xFFFF0000  }
0x7a: {  	_ =	sfence.sel $0x180000  }
0x7b: {  	[bflag:$0x0] =	sbarrier.arrive $0xFFFF  }
0x7c: {  	_ =	strace $0x9000004D  }
0x7d: {  	s0 =	stileid.u32;
	[bflag:$0x2] =	sbarrier.arrive $0xFFFF  }
0x7e: {  	p0 =	sne.s32 s0, $0x0;
	s0 =	rddreg [dreg:$0x2]  }
0x7f: {  	s0 =	sadd.s32 @!p0 $0x100000, s0  }
0x80: {  	[sflag:s0] =	ssyncadd.tile.s32 @!p0 $0x1;
	_ =	shalt  }
.Lfunc_end2:
_tile_overlayer_lowered:
.L_overlay_start_2:
0x81: {  	(tag) =	ssettag $0x2  }
0x82: {  	s0 =	rddreg [dreg:$0x0];
	s2 =	stileid.u32  }
0x83: {  	s1 =	rddreg [dreg:$0x1];
	p0 =	sne.s32 s2, $0x0  }
0x84: {  	s3 =	rddreg [dreg:$0x2];
	[bflag:$0x3] =	sbarrier.arrive $0xFFFF;
	s2 =	simm.s32 @!p0 $0x1C02  }
0x85: {  	[timem:s3], [sflag:s2] =	dma.local @!p0 [hbm:s0], s1  }
0x86: {  	s0 =	simm.s32 @!p0 $0x2  }
0x87: {  	_ =	swait.ge @!p0 [sflag:s0], s1  }
0x88: {  	s1 =	ssub.s32 @!p0 $0x0, s1;
	[sflag:s0] =	ssyncset.done @!p0 $0x0  }
0x89: {  	[sflag:s0] =	ssyncadd.s32 @!p0 s1  }
0x8a: {  	[bflag:$0x3] =	sbarrier.arrive $0xFFFF  }
0x8b: {  	_ =	shalt  }

// kernel: kernel.7.cloned.1.call-start
scs
__scs_entry_jumppad:
0x0: {  	(pc) =	sbr.rel $0x88, $3  }
0x1: {  	(tag) =	ssettag $0x0;
	lr =	simm.s32 $0x1  }
0x2: {  	[smem:$0x3F9A] =	sst lr;
	_ =	strace $0xD0000000  }
0x3: {  	_ = 	snop  }
0x4: {  	_ = 	snop  }
0x5: {  	_ = 	snop  }
0x6: {  	_ = 	snop  }
0x7: {  	_ = 	snop  }
__scs_overlays_trampoline_lowered:
0x8: {  	[smem:$0x3FA9] =	sst s0  }
0x9: {  	[smem:$0x3FAA] =	sst s1  }
0xa: {  	[smem:$0x3FAB] =	sst s2  }
0xb: {  	[smem:$0x3FAC] =	sst s3  }
0xc: {  	[smem:$0x3FAD] =	sst s4  }
0xd: {  	[smem:$0x3FAE] =	sst s5  }
0xe: {  	[smem:$0x3FAF] =	sst s6  }
0xf: {  	[smem:$0x3FB0] =	sst s7  }
0x10: {  	[smem:$0x3FB1] =	sst s8  }
0x11: {  	[smem:$0x3FB2] =	sst s9;
	s0 =	simm.s32 @!p0 $0x0  }
0x12: {  	s1 =	sld [smem:$0x3F98];
	s0 =	simm.s32 @p0 $0x1  }
0x13: {  	[smem:$0x3FB3] =	sst s0;
	s0 =	simm.s32 @!p1 $0x0  }
0x14: {  	s2 =	sld [smem:$0x3F97];
	s0 =	simm.s32 @p1 $0x1  }
0x15: {  	[smem:$0x3FB4] =	sst s0;
	s0 =	simm.s32 @!p2 $0x0  }
0x16: {  	s3 =	sld [smem:$0x3FDB];
	s0 =	simm.s32 @p2 $0x1  }
0x17: {  	s4 =	simm.s32 $0x1BF5;
	[smem:$0x3FB6] =	sst s0  }
0x18: {  	s0 =	sld [smem:$0x3F99];
	_ =	swait.ge [sflag:s4], $0x0  }
0x19: {  	s7 =	sld [smem:$0x3F9A]  }
0x1a: {  	s8 =	sadd.s32 $0xFFFFE003, lr  }
0x1b: {  	s9 =	sadd.s32 $0xFFFFFEF7, lr;
	s5 =	simm.s32 $0xFFFFFFFF;
	p2 =	slt.u32 s8, $0xFFFFF086  }
0x1c: {  	p1 =	slt.u32 s9, $0xF7A;
	s5 =	simm.s32 @!p2 $0x0  }
0x1d: {  	s5 =	simm.s32 @p1 $0x1;
	p0 =	seq.s32 s7, s2  }
0x1e: {  	s7 =	smul.u32 @!p0 $0xF7A, s2;
	p2 =	seq.s32 @!p0 s5, $0x0  }
0x1f: {  	s9 =	smul.u32 $0xF7A, s1;
	s8 =	simm.s32 @!p0 $0x1BF5;
	p2 =	por !p2, p0  }
0x20: {  	[sflag:s8] =	ssyncset.s32 @!p0 $0xFFFFF086;
	s6 =	sadd.s32 @!p0 s3, s7;
	s7 =	simm.s32 @!p0 $0x108  }
0x21: {  	s3 =	sadd.s32 s3, s9;
	s6 =	sadd.s32 @!p0 $0x88, s6;
	s7 =	simm.s32 @p2 $0x1082  }
0x22: {  	[simem:s7], [sflag:s8] =	dma.local @!p0 [hbm:s6], $0xF7A  }
0x23: {  	s9 =	sor.u32 $0xD0000000, s2;
	s6 =	simm.s32 $0x108;
	_ =	swait.ge @!p0 [sflag:s8], $0x0  }
0x24: {  	s3 =	sadd.s32 $0x88, s3;
	s6 =	simm.s32 @!p1 $0x1082;
	[sflag:s4] =	ssyncset.s32 $0xFFFFF086  }
0x25: {  	[simem:s6], [sflag:s4] =	dma.local [hbm:s3], $0xF7A  }
0x26: {  	[smem:$0x3F9A] =	sst s1;
	(tag) =	ssettag s2;
	_ =	strace s9  }
0x27: {  	s1 =	sld [smem:$0x3FAA]  }
0x28: {  	s2 =	sld [smem:$0x3FAB]  }
0x29: {  	s4 =	sld [smem:$0x3FAD]  }
0x2a: {  	p0 =	seq.s32 s5, $0x0;
	s5 =	sld [smem:$0x3FAE]  }
0x2b: {  	s6 =	sld [smem:$0x3FAF]  }
0x2c: {  	s7 =	sld [smem:$0x3FB0]  }
0x2d: {  	s3 =	simm.s32 $0x108;
	s8 =	sld [smem:$0x3FB1]  }
0x2e: {  	s3 =	simm.s32 @!p0 $0x1082;
	s9 =	sld [smem:$0x3FB2]  }
0x2f: {  	lr =	sadd.s32 s0, s3;
	s0 =	sld [smem:$0x3FA9]  }
0x30: {  	s3 =	sld [smem:$0x3FAC]  }
0x31: {  	[smem:$0x3FB5] =	sst s10  }
0x32: {  	s10 =	sld [smem:$0x3FB3];
	_ =	sdelay $0x3  }
0x33: {  	p0 =	seq.s32 s10, $0x1;
	s10 =	sld [smem:$0x3FB5];
	_ =	sdelay $0x3  }
0x34: {  	[smem:$0x3FB5] =	sst s10  }
0x35: {  	s10 =	sld [smem:$0x3FB4];
	_ =	sdelay $0x3  }
0x36: {  	p1 =	seq.s32 s10, $0x1;
	s10 =	sld [smem:$0x3FB5];
	_ =	sdelay $0x3  }
0x37: {  	[smem:$0x3FB5] =	sst s10  }
0x38: {  	s10 =	sld [smem:$0x3FB6]  }
0x39: {  	_ = 	snop;
	(pc) =	sbr.ind lr, $3  }
0x3a: {  	_ = 	snop  }
0x3b: {  	_ = 	snop  }
0x3c: {  	p2 =	seq.s32 s10, $0x1;
	s10 =	sld [smem:$0x3FB5]  }
0x3d: {  	_ =	shalt  }
0x3e: {  	_ =	shalt  }
0x3f: {  	_ =	shalt  }
0x40: {  	_ =	shalt  }
0x41: {  	_ =	shalt  }
0x42: {  	_ =	shalt  }
0x43: {  	_ =	shalt  }
0x44: {  	_ =	shalt  }
0x45: {  	_ =	shalt  }
0x46: {  	_ =	shalt  }
0x47: {  	_ =	shalt  }
0x48: {  	_ =	shalt  }
0x49: {  	_ =	shalt  }
0x4a: {  	_ =	shalt  }
0x4b: {  	_ =	shalt  }
0x4c: {  	_ =	shalt  }
0x4d: {  	_ =	shalt  }
0x4e: {  	_ =	shalt  }
0x4f: {  	_ =	shalt  }
0x50: {  	_ =	shalt  }
0x51: {  	_ =	shalt  }
0x52: {  	_ =	shalt  }
0x53: {  	_ =	shalt  }
0x54: {  	_ =	shalt  }
0x55: {  	_ =	shalt  }
0x56: {  	_ =	shalt  }
0x57: {  	_ =	shalt  }
0x58: {  	_ =	shalt  }
0x59: {  	_ =	shalt  }
0x5a: {  	_ =	shalt  }
0x5b: {  	_ =	shalt  }
0x5c: {  	_ =	shalt  }
0x5d: {  	_ =	shalt  }
0x5e: {  	_ =	shalt  }
0x5f: {  	_ =	shalt  }
0x60: {  	_ =	shalt  }
0x61: {  	_ =	shalt  }
0x62: {  	_ =	shalt  }
0x63: {  	_ =	shalt  }
0x64: {  	_ =	shalt  }
0x65: {  	_ =	shalt  }
0x66: {  	_ =	shalt  }
0x67: {  	_ =	shalt  }
0x68: {  	_ =	shalt  }
0x69: {  	_ =	shalt  }
0x6a: {  	_ =	shalt  }
0x6b: {  	_ =	shalt  }
0x6c: {  	_ =	shalt  }
0x6d: {  	_ =	shalt  }
0x6e: {  	_ =	shalt  }
0x6f: {  	_ =	shalt  }
0x70: {  	_ =	shalt  }
0x71: {  	_ =	shalt  }
0x72: {  	_ =	shalt  }
0x73: {  	_ =	shalt  }
0x74: {  	_ =	shalt  }
0x75: {  	_ =	shalt  }
0x76: {  	_ =	shalt  }
0x77: {  	_ =	shalt  }
0x78: {  	_ =	shalt  }
0x79: {  	_ =	shalt  }
0x7a: {  	_ =	shalt  }
0x7b: {  	_ =	shalt  }
0x7c: {  	_ =	shalt  }
0x7d: {  	_ =	shalt  }
0x7e: {  	_ =	shalt  }
0x7f: {  	_ =	shalt  }
0x80: {  	_ =	shalt  }
0x81: {  	_ =	shalt  }
0x82: {  	_ =	shalt  }
0x83: {  	_ =	shalt  }
0x84: {  	_ =	shalt  }
0x85: {  	_ =	shalt  }
0x86: {  	_ =	shalt  }
0x87: {  	_ =	shalt  }
.Lfunc_end0:
.L_simem_size_0:
called_computation_lowered:
.L_overlay_start_0:
0x88: {  	s2 =	sld [smem:$0x3FD9]  }
0x89: {  	s3 =	sld [smem:$0x3FFE];
	_ =	sdelay $0x1  }
0x8a: {  	s1 =	srdreg.scid  }
0x8b: {  	s0 =	sand.u32 $0x1, s1  }
0x8c: {  	s17 =	sshll.u32 s0, $0xA;
	s2 =	sadd.s32 s3, s2  }
0x8d: {  	s2 =	sadd.s32 s2, s17  }
0x8e: {  	[smem:$0x3FC1] =	sst s2  }
0x8f: {  	_ = 	snop  }
0x90: {  	s2 =	sld [smem:$0x3FC9]  }
0x91: {  	s18 =	sld [smem:$0x3FD0];
	(tm) =	ssettm $0x1  }
0x92: {  	s4 =	sld [smem:$0x3FFB];
	_ =	sdelay $0x3  }
0x93: {  	_ =	strace s4  }
0x94: {  	s4 =	sld [smem:$0x3FFC];
	_ =	sdelay $0x3  }
0x95: {  	_ =	strace s4  }
0x96: {  	s4 =	sld [smem:$0x3FFD];
	_ =	sdelay $0x3  }
0x97: {  	_ =	strace s4  }
0x98: {  	_ =	strace $0x8FFFFFFF  }
0x99: {  	s19 =	sld [smem:$0x3FDB];
	_ =	sdelay $0x1  }
0x9a: {  	s5 =	simm.s32 $_scs_section_size  }
0x9b: {  	s6 =	simm.s32 $_size__tile_overlayer_lowered;
	s7 =	simm.s32 $_tile_overlayer_lowered  }
0x9c: {  	s22 =	simm.s32 $0x1BFF;
	s21 =	sshll.u32 s7, $0x1;
	s4 =	sadd.s32 s5, s19  }
0x9d: {  	s8 =	simm.s32 $0x0;
	s20 =	sshll.u32 s6, $0x1;
	s6 =	sadd.s32 s21, s4  }
0x9e: {  	[timem:s8], [sflag:s22] =	dma.local [hbm:s6], s20  }
0x9f: {  	_ =	swait.ge [sflag:s22], s20  }
0xa0: {  	s5 =	ssub.s32 $0x0, s20;
	[sflag:s22] =	ssyncset.done $0x0  }
0xa1: {  	[sflag:s22] =	ssyncadd.s32 s5;
	_ =	sdelay $0x1  }
0xa2: {  	s23 =	simm.s32 $0x1B8B  }
0xa3: {  	_ =	swait.ge [sflag:s23], $0x1  }
0xa4: {  	[sflag:s23] =	ssyncset.done $0x0  }
0xa5: {  	s25 =	simm.s32 $0x1B8E;
	s24 =	sld [smem:$0x3FFE];
	[sflag:s23] =	ssyncadd.s32 $0xFFFFFFFF  }
0xa6: {  	s26 =	simm.s32 $execute0_lowered;
	[smem:$0x3FD2] =	sst s25  }
0xa7: {  	s6 =	sshll.u32 s26, $0x1;
	_ =	strace $0x80000046;
	[dreg:$0x1] =	wrdreg $0xFFFFFFFF  }
0xa8: {  	s28 =	simm.s32 $_size_execute0_lowered;
	s4 =	sadd.s32 s4, s6;
	[dreg:$0x0] =	wrdreg $0x0  }
0xa9: {  	s6 =	sshll.u32 s28, $0x1;
	[dreg:$0x2] =	wrdreg s4  }
0xaa: {  	[dreg:$0x3] =	wrdreg s6  }
0xab: {  	[dreg:$0x4] =	wrdreg $0xC0  }
0xac: {  	_ =	task [dreg:s8], $0x5FFFF  }
0xad: {  	[dreg:$0x1] =	wrdreg $0xFFFFFFFF  }
0xae: {  	[dreg:$0x0] =	wrdreg $0x60  }
0xaf: {  	[dreg:$0x2] =	wrdreg s2  }
0xb0: {  	[dreg:$0x3] =	wrdreg s24  }
0xb1: {  	[dreg:$0x4] =	wrdreg s18  }
0xb2: {  	[dreg:$0x5] =	wrdreg $0x9  }
0xb3: {  	_ =	task.clear_ibuf [dreg:s8], $0x6FFFF;
	_ =	strace $0x90000046  }
0xb4: {  	s29 =	simm.s32 $0x9;
	_ =	strace $0x80000048  }
0xb5: {  	_ =	swait.ge [sflag:s29], $0x1  }
0xb6: {  	[sflag:s29] =	ssyncadd.s32 $0xFFFFFFFF  }
0xb7: {  	_ =	strace $0x90000048  }
0xb8: {  	_ =	sfence  }
0xb9: {  	s30 =	sld [smem:$0x0];
	_ =	sdelay $0x2  }
0xba: {  	s31 =	sshll.u32 s1, $0xD;
	s1 =	sshrl.u32 s1, $0x2  }
0xbb: {  	s3 =	sand.u32 $0x4000, s31;
	s1 =	sadd.s32 s1, s30  }
0xbc: {  	s0 =	sor.u32 s3, s0;
	s1 =	sshll.u32 s1, $0x11  }
0xbd: {  	s0 =	sor.u32 s1, s0  }
0xbe: {  	s0 =	sadd.s32 $0x8F2B, s0  }
0xbf: {  	[sflag:s0] =	ssyncadd.remote.s32 $0x1  }
0xc0: {  	_ =	sfence.sel $0xFFFF  }
0xc1: {  	[dreg:$0x0] =	wrdreg $0xFFFFFFFF;
	(pc) =	sbr.abs _section_cstart, $3  }
0xc2: {  	[dreg:$0x1] =	wrdreg $0xFFFFFFFF  }
0xc3: {  	_ =	task.clear_ibuf [dreg:s8], $0x2FFFF;
	_ =	strace $0x9FFFFFFF  }
0xc4: {  	(tm) =	ssettm $0x7FFFFFFF  }
0xc5: {  	_ =	shalt  }
tec
execute0_lowered:
.L_overlay_start_1:
0x0: {  	(tag) =	ssettag $0x1  }
0x1: {  	s1 =	rddreg [dreg:$0x0];
	s2 =	srdreg.scid  }
0x2: {  	s4 =	rddreg [dreg:$0x1];
	s0 =	stileid.u32;
	s3 =	simm.s32 $0x0  }
0x3: {  	s15 =	simm.s32 $0x880;
	s16 =	simm.s32 $0x1080;
	s18 =	simm.s32 $0x1880  }
0x4: {  	s19 =	simm.s32 $0x2080;
	s5 =	sand.u32 $0x1, s2;
	s2 =	rddreg [dreg:$0x2]  }
0x5: {  	s21 =	simm.s32 $0x2880;
	s22 =	simm.s32 $0x3080;
	[smem:$0x7FF] =	sst s3  }
0x6: {  	s23 =	simm.s32 $0x3880;
	_ =	strace $0x80000047;
	[dreg:$0x6] =	wrdreg s15  }
0x7: {  	s24 =	simm.s32 $0x4080;
	s25 =	simm.s32 $0x4880;
	[dreg:$0x7] =	wrdreg s16  }
0x8: {  	s8 =	simm.s32 $0x2;
	s26 =	simm.s32 $0x5080;
	[dreg:$0x8] =	wrdreg s18  }
0x9: {  	s9 =	simm.s32 $0x80;
	s11 =	simm.s32 $0x6080;
	[dreg:$0x9] =	wrdreg s19  }
0xa: {  	s12 =	simm.s32 $0x6880;
	s13 =	simm.s32 $0x7080;
	[dreg:$0xa] =	wrdreg s21  }
0xb: {  	s14 =	simm.s32 $0x7880;
	s28 =	simm.s32 $0xE080;
	[dreg:$0xb] =	wrdreg s22  }
0xc: {  	s29 =	simm.s32 $0xE880;
	s30 =	simm.s32 $0xF080;
	[dreg:$0xc] =	wrdreg s23  }
0xd: {  	s31 =	simm.s32 $0xF880;
	s6 =	sshll.u32 s0, $0x7;
	[dreg:$0xd] =	wrdreg s24  }
0xe: {  	s7 =	sshll.u32 s5, $0x6;
	s17 =	ssub.s32 $0x2, s5;
	[dreg:$0xe] =	wrdreg s25  }
0xf: {  	[dreg:$0xf] =	wrdreg s26;
	s15 =	simm.s32 $0x8080;
	s16 =	simm.s32 $0x8880  }
0x10: {  	s18 =	simm.s32 $0x9880;
	s19 =	simm.s32 $0xA080;
	s21 =	simm.s32 $0xB080  }
0x11: {  	s22 =	simm.s32 $0xB880;
	s23 =	simm.s32 $0xC080;
	s24 =	simm.s32 $0xC880  }
0x12: {  	s25 =	simm.s32 $0xD080;
	s26 =	simm.s32 $0xD880;
	s6 =	sor.u32 s7, s6  }
0x13: {  	s5 =	sshrl.u32 s17, $0x1;
	s7 =	sshrl.u32 s6, $0x3;
	s6 =	sshll.u32 s6, $0x7  }
0x14: {  	s20 =	ssub.s32 s17, s5;
	s5 =	sadd.s32 $0x200, s2;
	s17 =	simm.s32 $0x9080  }
0x15: {  	v2 =	vlaneseq.u32;
	s4 =	sadd.s32 s4, s7;
	s1 =	sadd.s32 s1, s6;
	s6 =	sadd.s32 $0x300, s2  }
0x16: {  	vm0 =	vmmov $0xffff;
	v1 =	vshrl.u32 v2, $0x3;
	s7 =	smax.u32 s20, $0x1;
	s20 =	simm.s32 $0xA880;
	[dreg:$0x4] =	wrdreg s4  }
0x17: {  	v0 =	vand.u32 $0x7, v2;
	v2 =	vor.u32 $0x8, v2;
	v1 =	vmul.u32 $0x8, v1;
	[dreg:$0x5] =	wrdreg s1;
	s4 =	sadd.s32 $0x100, s2;
	s1 =	simm.s32 $0x1  }
.LBB2_1:
0x18: {  	s0 =	rddreg [dreg:$0x4]  }
0x19: {  	[tilespmem:s3], [sflag:$0x2] =	stream.linear.gather [hbm4b:s0+s3], $0x40, $0x38;
	[tilespmem:$0x10080] =	vst v63  }
0x1a: {  	_ =	swait.ge [sflag:s8], $0x40  }
0x1b: {  	[sflag:s8] =	ssyncset.done $0x0  }
0x1c: {  	s10 =	rddreg [dreg:$0x5];
	[sflag:s8] =	ssyncadd.s32 $0xFFFFFFC0  }
0x1d: {  	[tilespmem:s9], [sflag:$0x2] =	stream.linear.gather [hbm4b:s10+s3], $0x10000, $0x38;
	[tilespmem:$0x10080] =	vst v63  }
0x1e: {  	_ =	swait.ge [sflag:s8], $0x10000  }
0x1f: {  	[sflag:s8] =	ssyncset.done $0x0  }
0x20: {  	[sflag:s8] =	ssyncadd.s32 $0xFFFF0000  }
0x21: {  	v3 =	vld [tilespmem:$0x0];
	_ =	sdelay $0x4  }
0x22: {  	v4 =	vshll.u32 v3, $0x3  }
0x23: {  	v3 =	vand.u32 $0x7, v3;
	v4 =	vand.u32 $0xFFFFFFC0, v4  }
0x24: {  	v3 =	vor.u32 v3, v4  }
0x25: {  	v4 =	vperm.xlane v3, v0;
	_ =	sdelay $0x1  }
0x26: {  	v4 =	vadd.s32 v1, v4;
	_ =	sdelay $0x4  }
0x27: {  	[hbm4b:s2+s3] =	stream.indirect_vreg.scatter [tilespmem:s9], [sflag:$0x1], $0x80, v4, vm0, $0xb8;
	[tilespmem:$0x10080] =	vst v63  }
0x28: {  	s0 =	rddreg [dreg:$0x6];
	v3 =	vperm.xlane v3, v2  }
0x29: {  	[hbm4b:s4+s3] =	stream.indirect_vreg.scatter [tilespmem:s0], [sflag:$0x1], $0x80, v4, vm0, $0xb8;
	[tilespmem:$0x10080] =	vst v63  }
0x2a: {  	s10 =	rddreg [dreg:$0x7];
	v3 =	vadd.s32 v1, v3  }
0x2b: {  	[hbm4b:s5+s3] =	stream.indirect_vreg.scatter [tilespmem:s10], [sflag:$0x1], $0x80, v4, vm0, $0xb8;
	[tilespmem:$0x10080] =	vst v63  }
0x2c: {  	s0 =	rddreg [dreg:$0x8]  }
0x2d: {  	[hbm4b:s6+s3] =	stream.indirect_vreg.scatter [tilespmem:s0], [sflag:$0x1], $0x80, v4, vm0, $0xb8;
	[tilespmem:$0x10080] =	vst v63  }
0x2e: {  	s10 =	rddreg [dreg:$0x9]  }
0x2f: {  	[hbm4b:s2+s3] =	stream.indirect_vreg.scatter [tilespmem:s10], [sflag:$0x1], $0x80, v3, vm0, $0xb8;
	[tilespmem:$0x10080] =	vst v63  }
0x30: {  	s0 =	rddreg [dreg:$0xa]  }
0x31: {  	[hbm4b:s4+s3] =	stream.indirect_vreg.scatter [tilespmem:s0], [sflag:$0x1], $0x80, v3, vm0, $0xb8;
	[tilespmem:$0x10080] =	vst v63  }
0x32: {  	s10 =	rddreg [dreg:$0xb]  }
0x33: {  	[hbm4b:s5+s3] =	stream.indirect_vreg.scatter [tilespmem:s10], [sflag:$0x1], $0x80, v3, vm0, $0xb8;
	[tilespmem:$0x10080] =	vst v63  }
0x34: {  	s0 =	rddreg [dreg:$0xc]  }
0x35: {  	[hbm4b:s6+s3] =	stream.indirect_vreg.scatter [tilespmem:s0], [sflag:$0x1], $0x80, v3, vm0, $0xb8;
	[tilespmem:$0x10080] =	vst v63  }
0x36: {  	v3 =	vld [tilespmem:$0x10];
	_ =	sdelay $0x4  }
0x37: {  	v61 =	vshll.u32 v3, $0x3  }
0x38: {  	v3 =	vand.u32 $0x7, v3;
	v4 =	vand.u32 $0xFFFFFFC0, v61  }
0x39: {  	v3 =	vor.u32 v3, v4  }
0x3a: {  	v4 =	vperm.xlane v3, v0;
	_ =	sdelay $0x1  }
0x3b: {  	v4 =	vadd.s32 v1, v4;
	_ =	sdelay $0x3  }
0x3c: {  	s0 =	rddreg [dreg:$0xd]  }
0x3d: {  	[hbm4b:s2+s3] =	stream.indirect_vreg.scatter [tilespmem:s0], [sflag:$0x1], $0x80, v4, vm0, $0xb8;
	[tilespmem:$0x10080] =	vst v63  }
0x3e: {  	s10 =	rddreg [dreg:$0xe];
	v3 =	vperm.xlane v3, v2  }
0x3f: {  	[hbm4b:s4+s3] =	stream.indirect_vreg.scatter [tilespmem:s10], [sflag:$0x1], $0x80, v4, vm0, $0xb8;
	[tilespmem:$0x10080] =	vst v63  }
0x40: {  	v3 =	vadd.s32 v1, v3;
	s0 =	rddreg [dreg:$0xf]  }
0x41: {  	[hbm4b:s5+s3] =	stream.indirect_vreg.scatter [tilespmem:s0], [sflag:$0x1], $0x80, v4, vm0, $0xb8;
	[tilespmem:$0x10080] =	vst v63  }
0x42: {  	s10 =	simm.s32 $0x5880  }
0x43: {  	[hbm4b:s6+s3] =	stream.indirect_vreg.scatter [tilespmem:s10], [sflag:$0x1], $0x80, v4, vm0, $0xb8;
	[tilespmem:$0x10080] =	vst v63  }
0x44: {  	_ = 	snop  }
0x45: {  	[hbm4b:s2+s3] =	stream.indirect_vreg.scatter [tilespmem:s11], [sflag:$0x1], $0x80, v3, vm0, $0xb8;
	[tilespmem:$0x10080] =	vst v63  }
0x46: {  	_ = 	snop  }
0x47: {  	[hbm4b:s4+s3] =	stream.indirect_vreg.scatter [tilespmem:s12], [sflag:$0x1], $0x80, v3, vm0, $0xb8;
	[tilespmem:$0x10080] =	vst v63  }
0x48: {  	_ = 	snop  }
0x49: {  	[hbm4b:s5+s3] =	stream.indirect_vreg.scatter [tilespmem:s13], [sflag:$0x1], $0x80, v3, vm0, $0xb8;
	[tilespmem:$0x10080] =	vst v63  }
0x4a: {  	_ = 	snop  }
0x4b: {  	[hbm4b:s6+s3] =	stream.indirect_vreg.scatter [tilespmem:s14], [sflag:$0x1], $0x80, v3, vm0, $0xb8;
	[tilespmem:$0x10080] =	vst v63  }
0x4c: {  	v3 =	vld [tilespmem:$0x20];
	_ =	sdelay $0x4  }
0x4d: {  	v62 =	vshll.u32 v3, $0x3  }
0x4e: {  	v3 =	vand.u32 $0x7, v3;
	v4 =	vand.u32 $0xFFFFFFC0, v62  }
0x4f: {  	v3 =	vor.u32 v3, v4  }
0x50: {  	v4 =	vperm.xlane v3, v0;
	_ =	sdelay $0x1  }
0x51: {  	v4 =	vadd.s32 v1, v4;
	_ =	sdelay $0x4  }
0x52: {  	[hbm4b:s2+s3] =	stream.indirect_vreg.scatter [tilespmem:s15], [sflag:$0x1], $0x80, v4, vm0, $0xb8;
	[tilespmem:$0x10080] =	vst v63  }
0x53: {  	v3 =	vperm.xlane v3, v2  }
0x54: {  	[hbm4b:s4+s3] =	stream.indirect_vreg.scatter [tilespmem:s16], [sflag:$0x1], $0x80, v4, vm0, $0xb8;
	[tilespmem:$0x10080] =	vst v63  }
0x55: {  	v3 =	vadd.s32 v1, v3  }
0x56: {  	[hbm4b:s5+s3] =	stream.indirect_vreg.scatter [tilespmem:s17], [sflag:$0x1], $0x80, v4, vm0, $0xb8;
	[tilespmem:$0x10080] =	vst v63  }
0x57: {  	_ = 	snop  }
0x58: {  	[hbm4b:s6+s3] =	stream.indirect_vreg.scatter [tilespmem:s18], [sflag:$0x1], $0x80, v4, vm0, $0xb8;
	[tilespmem:$0x10080] =	vst v63  }
0x59: {  	_ = 	snop  }
0x5a: {  	[hbm4b:s2+s3] =	stream.indirect_vreg.scatter [tilespmem:s19], [sflag:$0x1], $0x80, v3, vm0, $0xb8;
	[tilespmem:$0x10080] =	vst v63  }
0x5b: {  	_ = 	snop  }
0x5c: {  	[hbm4b:s4+s3] =	stream.indirect_vreg.scatter [tilespmem:s20], [sflag:$0x1], $0x80, v3, vm0, $0xb8;
	[tilespmem:$0x10080] =	vst v63  }
0x5d: {  	_ = 	snop  }
0x5e: {  	[hbm4b:s5+s3] =	stream.indirect_vreg.scatter [tilespmem:s21], [sflag:$0x1], $0x80, v3, vm0, $0xb8;
	[tilespmem:$0x10080] =	vst v63  }
0x5f: {  	_ = 	snop  }
0x60: {  	[hbm4b:s6+s3] =	stream.indirect_vreg.scatter [tilespmem:s22], [sflag:$0x1], $0x80, v3, vm0, $0xb8;
	[tilespmem:$0x10080] =	vst v63  }
0x61: {  	v3 =	vld [tilespmem:$0x30];
	_ =	sdelay $0x4  }
0x62: {  	v63 =	vshll.u32 v3, $0x3  }
0x63: {  	v3 =	vand.u32 $0x7, v3;
	v4 =	vand.u32 $0xFFFFFFC0, v63  }
0x64: {  	v3 =	vor.u32 v3, v4  }
0x65: {  	v4 =	vperm.xlane v3, v0;
	_ =	sdelay $0x1  }
0x66: {  	v4 =	vadd.s32 v1, v4;
	_ =	sdelay $0x4  }
0x67: {  	[hbm4b:s2+s3] =	stream.indirect_vreg.scatter [tilespmem:s23], [sflag:$0x1], $0x80, v4, vm0, $0xb8;
	[tilespmem:$0x10080] =	vst v63  }
0x68: {  	v3 =	vperm.xlane v3, v2  }
0x69: {  	[hbm4b:s4+s3] =	stream.indirect_vreg.scatter [tilespmem:s24], [sflag:$0x1], $0x80, v4, vm0, $0xb8;
	[tilespmem:$0x10080] =	vst v63  }
0x6a: {  	v3 =	vadd.s32 v1, v3  }
0x6b: {  	[hbm4b:s5+s3] =	stream.indirect_vreg.scatter [tilespmem:s25], [sflag:$0x1], $0x80, v4, vm0, $0xb8;
	[tilespmem:$0x10080] =	vst v63  }
0x6c: {  	_ = 	snop  }
0x6d: {  	[hbm4b:s6+s3] =	stream.indirect_vreg.scatter [tilespmem:s26], [sflag:$0x1], $0x80, v4, vm0, $0xb8;
	[tilespmem:$0x10080] =	vst v63  }
0x6e: {  	_ = 	snop  }
0x6f: {  	[hbm4b:s2+s3] =	stream.indirect_vreg.scatter [tilespmem:s28], [sflag:$0x1], $0x80, v3, vm0, $0xb8;
	[tilespmem:$0x10080] =	vst v63  }
0x70: {  	_ = 	snop  }
0x71: {  	[hbm4b:s4+s3] =	stream.indirect_vreg.scatter [tilespmem:s29], [sflag:$0x1], $0x80, v3, vm0, $0xb8;
	[tilespmem:$0x10080] =	vst v63  }
0x72: {  	p0 =	sne.s32 s7, $0x1  }
0x73: {  	[hbm4b:s5+s3] =	stream.indirect_vreg.scatter [tilespmem:s30], [sflag:$0x1], $0x80, v3, vm0, $0xb8;
	[tilespmem:$0x10080] =	vst v63  }
.Ltmp0:
0x74: {  	_ = 	snop;
	(pc) =	sbr.rel @p0 .LBB2_1-.Ltmp0, $4  }
0x75: {  	[hbm4b:s6+s3] =	stream.indirect_vreg.scatter [tilespmem:s31], [sflag:$0x1], $0x80, v3, vm0, $0xb8;
	[tilespmem:$0x10080] =	vst v63  }
0x76: {  	_ =	swait.ge [sflag:s1], $0x10000  }
0x77: {  	[sflag:s1] =	ssyncset.done $0x0  }
0x78: {  	s7 =	sadd.s32 $0xFFFFFFFF, s7;
	[sflag:s1] =	ssyncadd.s32 $0xFFFF0000  }
0x79: {  	_ =	sfence.sel $0x180000  }
0x7a: {  	[bflag:$0x0] =	sbarrier.arrive $0xFFFF  }
0x7b: {  	_ =	strace $0x90000047  }
0x7c: {  	s0 =	stileid.u32;
	[bflag:$0x2] =	sbarrier.arrive $0xFFFF  }
0x7d: {  	p0 =	sne.s32 s0, $0x0;
	s0 =	rddreg [dreg:$0x3]  }
0x7e: {  	s0 =	sadd.s32 @!p0 $0x100000, s0  }
0x7f: {  	[sflag:s0] =	ssyncadd.tile.s32 @!p0 $0x1;
	_ =	shalt  }
.Lfunc_end2:
_tile_overlayer_lowered:
.L_overlay_start_2:
0x80: {  	(tag) =	ssettag $0x2  }
0x81: {  	s0 =	rddreg [dreg:$0x0];
	s2 =	stileid.u32  }
0x82: {  	s1 =	rddreg [dreg:$0x1];
	p0 =	sne.s32 s2, $0x0  }
0x83: {  	s3 =	rddreg [dreg:$0x2];
	[bflag:$0x3] =	sbarrier.arrive $0xFFFF;
	s2 =	simm.s32 @!p0 $0x1C02  }
0x84: {  	[timem:s3], [sflag:s2] =	dma.local @!p0 [hbm:s0], s1  }
0x85: {  	s0 =	simm.s32 @!p0 $0x2  }
0x86: {  	_ =	swait.ge @!p0 [sflag:s0], s1  }
0x87: {  	s1 =	ssub.s32 @!p0 $0x0, s1;
	[sflag:s0] =	ssyncset.done @!p0 $0x0  }
0x88: {  	[sflag:s0] =	ssyncadd.s32 @!p0 s1  }
0x89: {  	[bflag:$0x3] =	sbarrier.arrive $0xFFFF  }
0x8a: {  	_ =	shalt  }

</sc_bundles>
